<compile_context>
chip_gen: v7x
topology: tpu7x:2x2x1
jax: 0.10.2.dev20260603
libtpu: 0.0.44.dev20260713+nightly
codegen_flags: <defaults>
</compile_context>

<pallas_src>
import functools

import jax
import jax.numpy as jnp
from jax import lax
from jax.experimental import pallas as pl
from jax.experimental.pallas import tpu as pltpu
from jax.experimental.pallas import tpu_sc as plsc

N_NODES = 10000
N_EDGES = 320000
D = 128
NCLS = 16
N_GRAPHS = 64

NC, NS = 2, 16
NW = NC * NS
NPAD = 10240
RPW = NPAD // NS
EP = 327680
CHW = 64
NBUFW = 2
CHN = 128
NBUFN = 4

BR = 1024
GRID = NPAD // BR


def _sc_agg(table, src, dst, zeros_tbl, zeros16, ones16, chunk, nbuf,
            with_cnt):
    width = table.shape[1]
    nt = EP // (NW * chunk)
    mesh = plsc.VectorSubcoreMesh(core_axis_name="c", subcore_axis_name="s")

    out_type = [jax.ShapeDtypeStruct((NC, NPAD, width), jnp.float32)]
    scratch = [
        pltpu.VMEM((nt, chunk), jnp.int32),
        pltpu.VMEM((nt, chunk), jnp.int32),
    ]
    scratch += [pltpu.VMEM((chunk, width), jnp.float32) for _ in range(nbuf)]
    scratch += [pltpu.VMEM_SHARED((NPAD, width), jnp.float32)]
    if with_cnt:
        out_type.append(jax.ShapeDtypeStruct((NC, NPAD, NCLS), jnp.float32))
        scratch += [pltpu.VMEM((chunk, NCLS), jnp.float32),
                    pltpu.VMEM_SHARED((NPAD, NCLS), jnp.float32)]
    scratch += [pltpu.SemaphoreType.DMA
                for _ in range(2 * nbuf + (1 if with_cnt else 0))]

    @functools.partial(
        pl.kernel,
        out_type=tuple(out_type) if with_cnt else out_type[0],
        mesh=mesh,
        compiler_params=pltpu.CompilerParams(use_tc_tiling_on_sc=False),
        scratch_types=scratch,
    )
    def k(tbl_hbm, src_hbm, dst_hbm, ztbl_hbm, *rest):
        if with_cnt:
            (z16_hbm, ones_hbm, acc_out, cnt_out, sib, dib, *bufs) = rest
            rows = bufs[:nbuf]
            acc_sh, ones, cnt_sh = bufs[nbuf], bufs[nbuf + 1], bufs[nbuf + 2]
            sems = bufs[nbuf + 3:]
        else:
            (acc_out, sib, dib, *bufs) = rest
            rows = bufs[:nbuf]
            acc_sh = bufs[nbuf]
            sems = bufs[nbuf + 1:]
        sem_g, sem_s = sems[:nbuf], sems[nbuf:2 * nbuf]
        sem_c = sems[2 * nbuf] if with_cnt else None

        cid = lax.axis_index("c")
        sid = lax.axis_index("s")
        wid = cid * NS + sid

        r0 = sid * RPW
        pltpu.sync_copy(ztbl_hbm.at[pl.ds(r0, RPW), :],
                        acc_sh.at[pl.ds(r0, RPW), :])
        if with_cnt:
            pltpu.sync_copy(z16_hbm.at[pl.ds(r0, RPW), :],
                            cnt_sh.at[pl.ds(r0, RPW), :])
            pltpu.sync_copy(ones_hbm, ones)

        w0 = wid * nt
        pltpu.sync_copy(src_hbm.at[pl.ds(w0, nt), :], sib)
        pltpu.sync_copy(dst_hbm.at[pl.ds(w0, nt), :], dib)

        plsc.subcore_barrier()

        def start_gather(b, c):
            pltpu.async_copy(tbl_hbm.at[sib.at[c]], rows[b], sem_g[b])

        def wait_gather(b, c):
            pltpu.make_async_copy(tbl_hbm.at[sib.at[c]], rows[b],
                                  sem_g[b]).wait()

        def start_scatter(b, c):
            pltpu.async_copy(rows[b], acc_sh.at[dib.at[c]], sem_s[b],
                             add=True)
            if with_cnt:
                pltpu.async_copy(ones, cnt_sh.at[dib.at[c]], sem_c,
                                 add=True)

        def wait_scatter(b, c):
            pltpu.make_async_copy(rows[b], acc_sh.at[dib.at[c]],
                                  sem_s[b]).wait()

        for b in range(nbuf):
            start_gather(b, b)

        @pl.loop(0, nt - nbuf, step=nbuf)
        def _(t):
            for b in range(nbuf):
                wait_gather(b, t + b)
                start_scatter(b, t + b)
            for b in range(nbuf):
                wait_scatter(b, t + b)
                start_gather(b, t + b + nbuf)

        for b in range(nbuf):
            wait_gather(b, nt - nbuf + b)
            start_scatter(b, nt - nbuf + b)
        for b in range(nbuf):
            wait_scatter(b, nt - nbuf + b)

        if with_cnt:
            @pl.loop(0, nt)
            def _(t):
                pltpu.make_async_copy(ones, cnt_sh.at[dib.at[0]],
                                      sem_c).wait()

        plsc.subcore_barrier()

        pltpu.sync_copy(acc_sh.at[pl.ds(r0, RPW), :],
                        acc_out.at[cid, pl.ds(r0, RPW), :])
        if with_cnt:
            pltpu.sync_copy(cnt_sh.at[pl.ds(r0, RPW), :],
                            cnt_out.at[cid, pl.ds(r0, RPW), :])

    if with_cnt:
        return k(table, src, dst, zeros_tbl, zeros16, ones16)
    return k(table, src, dst, zeros_tbl)


def _tc_layer1(x_pad, s1a, s1b, cnta, cntb, Wl1, bl1, Wr1, Wl2):

    def body(x_ref, sa_ref, sb_ref, ca_ref, cb_ref, wl1_ref, bl1_ref,
             wr1_ref, wl2_ref, h1_ref, hl_ref, inv_ref):
        cnt = ca_ref[:, 0:1] + cb_ref[:, 0:1]
        inv = 1.0 / jnp.maximum(cnt, 1.0)
        inv_ref[...] = inv
        s1 = (sa_ref[...] + sb_ref[...]) * inv
        h1 = s1 @ wl1_ref[...] + bl1_ref[...] + x_ref[...] @ wr1_ref[...]
        h1 = jnp.maximum(h1, 0.0)
        h1_ref[...] = h1
        hl_ref[...] = h1 @ wl2_ref[...]

    row_spec = pl.BlockSpec((BR, D), lambda i: (i, 0))
    nar_spec = pl.BlockSpec((BR, NCLS), lambda i: (i, 0))
    col_spec = pl.BlockSpec((BR, 1), lambda i: (i, 0))
    full = lambda shape: pl.BlockSpec(shape, lambda i: tuple(0 for _ in shape))
    return pl.pallas_call(
        body,
        grid=(GRID,),
        in_specs=[row_spec, row_spec, row_spec, nar_spec, nar_spec,
                  full((D, D)), full((1, D)), full((D, D)), full((D, NCLS))],
        out_specs=[row_spec, pl.BlockSpec((BR, NCLS), lambda i: (i, 0)),
                   col_spec],
        out_shape=[
            jax.ShapeDtypeStruct((NPAD, D), jnp.float32),
            jax.ShapeDtypeStruct((NPAD, NCLS), jnp.float32),
            jax.ShapeDtypeStruct((NPAD, 1), jnp.float32),
        ],
    )(x_pad, s1a, s1b, cnta, cntb, Wl1, bl1.reshape(1, D), Wr1, Wl2)


def _tc_layer2(h1, s2a, s2b, inv, Wr2, bl2, batch_col):

    def body(h1_ref, sa_ref, sb_ref, inv_ref, wr2_ref, bl2_ref, b_ref,
             out_ref, psum, pcnt):
        i = pl.program_id(0)

        @pl.when(i == 0)
        def _():
            psum[...] = jnp.zeros_like(psum)
            pcnt[...] = jnp.zeros_like(pcnt)

        h2 = (sa_ref[...] + sb_ref[...]) * inv_ref[...] + bl2_ref[...] \
            + h1_ref[...] @ wr2_ref[...]
        oh = (b_ref[...] == lax.broadcasted_iota(jnp.int32, (1, N_GRAPHS), 1))
        oh = oh.astype(jnp.float32)
        dn = (((0,), (0,)), ((), ()))
        psum[...] += lax.dot_general(oh, h2, dn,
                                     preferred_element_type=jnp.float32)
        pcnt[...] += lax.dot_general(oh, jnp.ones((BR, NCLS), jnp.float32), dn,
                                     preferred_element_type=jnp.float32)

        @pl.when(i == GRID - 1)
        def _():
            p = psum[...] / jnp.maximum(pcnt[...], 1.0)
            m = jnp.max(p, axis=1, keepdims=True)
            e = jnp.exp(p - m)
            lse = jnp.log(jnp.sum(e, axis=1, keepdims=True))
            out_ref[...] = p - m - lse

    row_spec = pl.BlockSpec((BR, D), lambda i: (i, 0))
    nar_spec = pl.BlockSpec((BR, NCLS), lambda i: (i, 0))
    col_spec = pl.BlockSpec((BR, 1), lambda i: (i, 0))
    full = lambda shape: pl.BlockSpec(shape, lambda i: tuple(0 for _ in shape))
    return pl.pallas_call(
        body,
        grid=(GRID,),
        in_specs=[row_spec, nar_spec, nar_spec, col_spec,
                  full((D, NCLS)), full((1, NCLS)), col_spec],
        out_specs=full((N_GRAPHS, NCLS)),
        out_shape=jax.ShapeDtypeStruct((N_GRAPHS, NCLS), jnp.float32),
        scratch_shapes=[
            pltpu.VMEM((N_GRAPHS, NCLS), jnp.float32),
            pltpu.VMEM((N_GRAPHS, NCLS), jnp.float32),
        ],
    )(h1, s2a, s2b, inv, Wr2, bl2.reshape(1, NCLS), batch_col)


def kernel(x, edge_index, batch, Wl1, bl1, Wr1, Wl2, bl2, Wr2):
    npad_e = EP - N_EDGES
    pad_dst = (N_NODES + jnp.arange(npad_e, dtype=jnp.int32)
               % (NPAD - N_NODES))
    src = jnp.concatenate([edge_index[0], jnp.zeros((npad_e,), jnp.int32)])
    dst = jnp.concatenate([edge_index[1], pad_dst])
    zeros2d = jnp.zeros((NPAD, D), jnp.float32)
    zeros16 = jnp.zeros((NPAD, NCLS), jnp.float32)
    ones16 = jnp.ones((CHW, NCLS), jnp.float32)

    accs, cnts = _sc_agg(x, src.reshape(-1, CHW), dst.reshape(-1, CHW),
                         zeros2d, zeros16, ones16, CHW, NBUFW, True)

    x_pad = jnp.concatenate([x, jnp.zeros((NPAD - N_NODES, D), jnp.float32)])
    h1, hl, inv = _tc_layer1(
        x_pad, accs[0], accs[1], cnts[0], cnts[1],
        Wl1, bl1, Wr1, Wl2)

    s2 = _sc_agg(hl, src.reshape(-1, CHN), dst.reshape(-1, CHN),
                 zeros16, None, None, CHN, NBUFN, False)

    batch_col = jnp.concatenate(
        [batch, jnp.full((NPAD - N_NODES,), N_GRAPHS, jnp.int32)]
    ).reshape(NPAD, 1)
    return _tc_layer2(h1, s2[0], s2[1], inv, Wr2, bl2, batch_col)

# --- scband reference (transcript-rebuilt; emitter-appended) ---
"""Pipeline reference for scband-gcn-67284957659671 (READ-ONLY COPY).

The authoritative reference and input builder live on the scoring server;
editing this copy changes nothing except your own understanding.
"""

import jax, jax.numpy as jnp
import numpy as np

N_NODES = 10000
N_EDGES = 320000
D_FEAT = 128
HIDDEN = 128
N_CLASSES = 16
N_GRAPHS = 64


def setup_inputs(seed: int = 0) -> dict:
    key = jax.random.key(seed)
    ks = jax.random.split(key, 10)
    x = jax.random.normal(ks[0], (N_NODES, D_FEAT), dtype=jnp.float32)
    edge_index = jax.random.randint(ks[1], (2, N_EDGES), 0, N_NODES, dtype=jnp.int64 if jax.config.jax_enable_x64 else jnp.int32).astype(jnp.int32)
    batch = jnp.sort(jax.random.randint(ks[2], (N_NODES,), 0, N_GRAPHS)).astype(jnp.int32)
    s1 = 1.0 / np.sqrt(D_FEAT)
    s2 = 1.0 / np.sqrt(HIDDEN)
    Wl1 = jax.random.uniform(ks[3], (D_FEAT, HIDDEN), minval=-s1, maxval=s1, dtype=jnp.float32)
    bl1 = jnp.zeros((HIDDEN,), dtype=jnp.float32)
    Wr1 = jax.random.uniform(ks[4], (D_FEAT, HIDDEN), minval=-s1, maxval=s1, dtype=jnp.float32)
    Wl2 = jax.random.uniform(ks[5], (HIDDEN, N_CLASSES), minval=-s2, maxval=s2, dtype=jnp.float32)
    bl2 = jnp.zeros((N_CLASSES,), dtype=jnp.float32)
    Wr2 = jax.random.uniform(ks[6], (HIDDEN, N_CLASSES), minval=-s2, maxval=s2, dtype=jnp.float32)
    return {"x": x, "edge_index": edge_index, "batch": batch,
            "Wl1": Wl1, "bl1": bl1, "Wr1": Wr1,
            "Wl2": Wl2, "bl2": bl2, "Wr2": Wr2}


def _sage_conv(x, edge_index, Wl, bl, Wr):
    # PyG SAGEConv with aggr='mean': out = lin_l(mean_j x_j) + lin_r(x_i)
    src = edge_index[0]
    dst = edge_index[1]
    msgs = jnp.take(x, src, axis=0)
    agg = jax.ops.segment_sum(msgs, dst, num_segments=x.shape[0])
    cnt = jax.ops.segment_sum(jnp.ones((edge_index.shape[1],), dtype=x.dtype), dst, num_segments=x.shape[0])
    agg = agg / jnp.clip(cnt, 1.0, None)[:, None]
    return agg @ Wl + bl + x @ Wr


def reference(x, edge_index, batch, Wl1, bl1, Wr1, Wl2, bl2, Wr2):
    h = _sage_conv(x, edge_index, Wl1, bl1, Wr1)
    # conv1 dropout p=0 (eval) -> identity; activ1 = relu
    h = jax.nn.relu(h)
    h = _sage_conv(h, edge_index, Wl2, bl2, Wr2)
    # conv2 dropout p=0, no activ2
    pooled_sum = jax.ops.segment_sum(h, batch, num_segments=N_GRAPHS)
    pooled_cnt = jax.ops.segment_sum(jnp.ones((h.shape[0],), dtype=h.dtype), batch, num_segments=N_GRAPHS)
    pooled = pooled_sum / jnp.clip(pooled_cnt, 1.0, None)[:, None]
    return jax.nn.log_softmax(pooled, axis=1)

if __name__ == "__main__":
    import jax
    _d = setup_inputs()
    print(jax.jit(kernel)(*tuple(_d.values())))

</pallas_src>

<mosaic_0001>
#map = affine_map<(d0, d1) -> (0, 0)>
#map1 = affine_map<(d0, d1) -> (0, 0, 0)>
module attributes {stable_mosaic.version = 14 : i64} {
  func.func @k(%arg0: i32, %arg1: i32, %arg2: memref<10240x16xf32, #tpu.memory_space<hbm>>, %arg3: memref<2560x128xi32, #tpu.memory_space<hbm>>, %arg4: memref<2560x128xi32, #tpu.memory_space<hbm>>, %arg5: memref<10240x16xf32, #tpu.memory_space<hbm>>, %arg6: memref<2x10240x16xf32, #tpu.memory_space<hbm>>, %arg7: memref<80x128xi32, #tpu.memory_space<vmem>>, %arg8: memref<80x128xi32, #tpu.memory_space<vmem>>, %arg9: memref<128x16xf32, #tpu.memory_space<vmem>>, %arg10: memref<128x16xf32, #tpu.memory_space<vmem>>, %arg11: memref<128x16xf32, #tpu.memory_space<vmem>>, %arg12: memref<128x16xf32, #tpu.memory_space<vmem>>, %arg13: memref<10240x16xf32, #tpu.memory_space<vmem_shared>>, %arg14: memref<!tpu.dma_semaphore, #tpu.memory_space<semaphore_mem>>, %arg15: memref<!tpu.dma_semaphore, #tpu.memory_space<semaphore_mem>>, %arg16: memref<!tpu.dma_semaphore, #tpu.memory_space<semaphore_mem>>, %arg17: memref<!tpu.dma_semaphore, #tpu.memory_space<semaphore_mem>>, %arg18: memref<!tpu.dma_semaphore, #tpu.memory_space<semaphore_mem>>, %arg19: memref<!tpu.dma_semaphore, #tpu.memory_space<semaphore_mem>>, %arg20: memref<!tpu.dma_semaphore, #tpu.memory_space<semaphore_mem>>, %arg21: memref<!tpu.dma_semaphore, #tpu.memory_space<semaphore_mem>>) attributes {dimension_semantics = [#tpu.dimension_semantics<core_parallel>, #tpu.dimension_semantics<subcore_parallel>], iteration_bounds = array<i64: 2, 16>, scalar_prefetch = 0 : i64, scratch_operands = 15 : i64, tpu.core_type = #tpu.core_type<sc_vector_subcore>, window_params = [{transform_indices = #map}, {transform_indices = #map}, {transform_indices = #map}, {transform_indices = #map}, {transform_indices = #map1}]} {
    %mul3A = arith.constant 16 : i32
    %mul3A_0 = arith.muli %arg0, %mul3A : i32
    %add3A = arith.addi %mul3A_0, %arg1 : i32
    %mul3A_1 = arith.constant 640 : i32
    %mul3A_2 = arith.muli %arg1, %mul3A_1 : i32
    "tpu.region"() ({
      %run_scoped3A = tpu.sem_alloc : memref<!tpu.dma_semaphore, #tpu.memory_space<semaphore_mem>>
      %dma_start3A_120 = arith.constant 0 : i32
      %dma_start3A_121 = tpu.memref_slice %arg13[%mul3A_2, %dma_start3A_120] : memref<10240x16xf32, #tpu.memory_space<vmem_shared>> -> memref<640x16xf32, #tpu.memory_space<vmem_shared>>
      %dma_start3A_122 = arith.constant 0 : i32
      %dma_start3A_123 = tpu.memref_slice %arg5[%mul3A_2, %dma_start3A_122] : memref<10240x16xf32, #tpu.memory_space<hbm>> -> memref<640x16xf32, #tpu.memory_space<hbm>>
      tpu.enqueue_dma source(%dma_start3A_123 : memref<640x16xf32, #tpu.memory_space<hbm>>) target(%dma_start3A_121 : memref<640x16xf32, #tpu.memory_space<vmem_shared>>) target_semaphore(%run_scoped3A : memref<!tpu.dma_semaphore, #tpu.memory_space<semaphore_mem>>)
      %dma_wait3A_124 = arith.constant 0 : i32
      %dma_wait3A_125 = tpu.memref_slice %arg13[%mul3A_2, %dma_wait3A_124] : memref<10240x16xf32, #tpu.memory_space<vmem_shared>> -> memref<640x16xf32, #tpu.memory_space<vmem_shared>>
      %dma_wait3A_126 = arith.constant 0 : i32
      %dma_wait3A_127 = tpu.memref_slice %arg5[%mul3A_2, %dma_wait3A_126] : memref<10240x16xf32, #tpu.memory_space<hbm>> -> memref<640x16xf32, #tpu.memory_space<hbm>>
      tpu.wait_dma2 semaphore(%run_scoped3A : memref<!tpu.dma_semaphore, #tpu.memory_space<semaphore_mem>>) src(%dma_wait3A_127 : memref<640x16xf32, #tpu.memory_space<hbm>>) dst(%dma_wait3A_125 : memref<640x16xf32, #tpu.memory_space<vmem_shared>>)
      tpu.yield
    }) : () -> ()
    %mul3A_3 = arith.constant 80 : i32
    %mul3A_4 = arith.muli %add3A, %mul3A_3 : i32
    "tpu.region"() ({
      %run_scoped3A = tpu.sem_alloc : memref<!tpu.dma_semaphore, #tpu.memory_space<semaphore_mem>>
      %dma_start3A_120 = arith.constant 0 : i32
      %dma_start3A_121 = tpu.memref_slice %arg3[%mul3A_4, %dma_start3A_120] : memref<2560x128xi32, #tpu.memory_space<hbm>> -> memref<80x128xi32, #tpu.memory_space<hbm>>
      %dma_start3A_122 = arith.constant 0 : i32
      %dma_start3A_123 = tpu.memref_slice %arg3[%mul3A_4, %dma_start3A_122] : memref<2560x128xi32, #tpu.memory_space<hbm>> -> memref<80x128xi32, #tpu.memory_space<hbm>>
      tpu.enqueue_dma source(%dma_start3A_123 : memref<80x128xi32, #tpu.memory_space<hbm>>) target(%arg7 : memref<80x128xi32, #tpu.memory_space<vmem>>) target_semaphore(%run_scoped3A : memref<!tpu.dma_semaphore, #tpu.memory_space<semaphore_mem>>)
      %dma_wait3A_124 = arith.constant 0 : i32
      %dma_wait3A_125 = tpu.memref_slice %arg3[%mul3A_4, %dma_wait3A_124] : memref<2560x128xi32, #tpu.memory_space<hbm>> -> memref<80x128xi32, #tpu.memory_space<hbm>>
      %dma_wait3A_126 = arith.constant 0 : i32
      %dma_wait3A_127 = tpu.memref_slice %arg3[%mul3A_4, %dma_wait3A_126] : memref<2560x128xi32, #tpu.memory_space<hbm>> -> memref<80x128xi32, #tpu.memory_space<hbm>>
      tpu.wait_dma2 semaphore(%run_scoped3A : memref<!tpu.dma_semaphore, #tpu.memory_space<semaphore_mem>>) src(%dma_wait3A_127 : memref<80x128xi32, #tpu.memory_space<hbm>>) dst(%arg7 : memref<80x128xi32, #tpu.memory_space<vmem>>)
      tpu.yield
    }) : () -> ()
    "tpu.region"() ({
      %run_scoped3A = tpu.sem_alloc : memref<!tpu.dma_semaphore, #tpu.memory_space<semaphore_mem>>
      %dma_start3A_120 = arith.constant 0 : i32
      %dma_start3A_121 = tpu.memref_slice %arg4[%mul3A_4, %dma_start3A_120] : memref<2560x128xi32, #tpu.memory_space<hbm>> -> memref<80x128xi32, #tpu.memory_space<hbm>>
      %dma_start3A_122 = arith.constant 0 : i32
      %dma_start3A_123 = tpu.memref_slice %arg4[%mul3A_4, %dma_start3A_122] : memref<2560x128xi32, #tpu.memory_space<hbm>> -> memref<80x128xi32, #tpu.memory_space<hbm>>
      tpu.enqueue_dma source(%dma_start3A_123 : memref<80x128xi32, #tpu.memory_space<hbm>>) target(%arg8 : memref<80x128xi32, #tpu.memory_space<vmem>>) target_semaphore(%run_scoped3A : memref<!tpu.dma_semaphore, #tpu.memory_space<semaphore_mem>>)
      %dma_wait3A_124 = arith.constant 0 : i32
      %dma_wait3A_125 = tpu.memref_slice %arg4[%mul3A_4, %dma_wait3A_124] : memref<2560x128xi32, #tpu.memory_space<hbm>> -> memref<80x128xi32, #tpu.memory_space<hbm>>
      %dma_wait3A_126 = arith.constant 0 : i32
      %dma_wait3A_127 = tpu.memref_slice %arg4[%mul3A_4, %dma_wait3A_126] : memref<2560x128xi32, #tpu.memory_space<hbm>> -> memref<80x128xi32, #tpu.memory_space<hbm>>
      tpu.wait_dma2 semaphore(%run_scoped3A : memref<!tpu.dma_semaphore, #tpu.memory_space<semaphore_mem>>) src(%dma_wait3A_127 : memref<80x128xi32, #tpu.memory_space<hbm>>) dst(%arg8 : memref<80x128xi32, #tpu.memory_space<vmem>>)
      tpu.yield
    }) : () -> ()
    %barrier3A = arith.constant 0 : index
    tpu.barrier barrier_id(%barrier3A)
    %dma_start3A = arith.constant 0 : i32
    %dma_start3A_5 = arith.constant 0 : i32
    %dma_start3A_6 = tpu.memref_slice %arg7[%dma_start3A, %dma_start3A_5] : memref<80x128xi32, #tpu.memory_space<vmem>> -> memref<1x128xi32, #tpu.memory_space<vmem>>
    %dma_start3A_7 = tpu.memref_squeeze %dma_start3A_6 : memref<1x128xi32, #tpu.memory_space<vmem>> -> memref<128xi32, #tpu.memory_space<vmem>>
    %dma_start3A_8 = arith.constant 0 : i32
    %dma_start3A_9 = arith.constant 0 : i32
    %dma_start3A_10 = tpu.memref_slice %arg2[%dma_start3A_8, %dma_start3A_9] : memref<10240x16xf32, #tpu.memory_space<hbm>> -> memref<10240x16xf32, #tpu.memory_space<hbm>>
    tpu.enqueue_indirect_dma source(%dma_start3A_10 : memref<10240x16xf32, #tpu.memory_space<hbm>>) target(%arg9 : memref<128x16xf32, #tpu.memory_space<vmem>>) offsets(%dma_start3A_7 : memref<128xi32, #tpu.memory_space<vmem>>) semaphore(%arg14 : memref<!tpu.dma_semaphore, #tpu.memory_space<semaphore_mem>>)
    %dma_start3A_11 = arith.constant 1 : i32
    %dma_start3A_12 = arith.constant 0 : i32
    %dma_start3A_13 = tpu.memref_slice %arg7[%dma_start3A_11, %dma_start3A_12] : memref<80x128xi32, #tpu.memory_space<vmem>> -> memref<1x128xi32, #tpu.memory_space<vmem>>
    %dma_start3A_14 = tpu.memref_squeeze %dma_start3A_13 : memref<1x128xi32, #tpu.memory_space<vmem>> -> memref<128xi32, #tpu.memory_space<vmem>>
    %dma_start3A_15 = arith.constant 0 : i32
    %dma_start3A_16 = arith.constant 0 : i32
    %dma_start3A_17 = tpu.memref_slice %arg2[%dma_start3A_15, %dma_start3A_16] : memref<10240x16xf32, #tpu.memory_space<hbm>> -> memref<10240x16xf32, #tpu.memory_space<hbm>>
    tpu.enqueue_indirect_dma source(%dma_start3A_17 : memref<10240x16xf32, #tpu.memory_space<hbm>>) target(%arg10 : memref<128x16xf32, #tpu.memory_space<vmem>>) offsets(%dma_start3A_14 : memref<128xi32, #tpu.memory_space<vmem>>) semaphore(%arg15 : memref<!tpu.dma_semaphore, #tpu.memory_space<semaphore_mem>>)
    %dma_start3A_18 = arith.constant 2 : i32
    %dma_start3A_19 = arith.constant 0 : i32
    %dma_start3A_20 = tpu.memref_slice %arg7[%dma_start3A_18, %dma_start3A_19] : memref<80x128xi32, #tpu.memory_space<vmem>> -> memref<1x128xi32, #tpu.memory_space<vmem>>
    %dma_start3A_21 = tpu.memref_squeeze %dma_start3A_20 : memref<1x128xi32, #tpu.memory_space<vmem>> -> memref<128xi32, #tpu.memory_space<vmem>>
    %dma_start3A_22 = arith.constant 0 : i32
    %dma_start3A_23 = arith.constant 0 : i32
    %dma_start3A_24 = tpu.memref_slice %arg2[%dma_start3A_22, %dma_start3A_23] : memref<10240x16xf32, #tpu.memory_space<hbm>> -> memref<10240x16xf32, #tpu.memory_space<hbm>>
    tpu.enqueue_indirect_dma source(%dma_start3A_24 : memref<10240x16xf32, #tpu.memory_space<hbm>>) target(%arg11 : memref<128x16xf32, #tpu.memory_space<vmem>>) offsets(%dma_start3A_21 : memref<128xi32, #tpu.memory_space<vmem>>) semaphore(%arg16 : memref<!tpu.dma_semaphore, #tpu.memory_space<semaphore_mem>>)
    %dma_start3A_25 = arith.constant 3 : i32
    %dma_start3A_26 = arith.constant 0 : i32
    %dma_start3A_27 = tpu.memref_slice %arg7[%dma_start3A_25, %dma_start3A_26] : memref<80x128xi32, #tpu.memory_space<vmem>> -> memref<1x128xi32, #tpu.memory_space<vmem>>
    %dma_start3A_28 = tpu.memref_squeeze %dma_start3A_27 : memref<1x128xi32, #tpu.memory_space<vmem>> -> memref<128xi32, #tpu.memory_space<vmem>>
    %dma_start3A_29 = arith.constant 0 : i32
    %dma_start3A_30 = arith.constant 0 : i32
    %dma_start3A_31 = tpu.memref_slice %arg2[%dma_start3A_29, %dma_start3A_30] : memref<10240x16xf32, #tpu.memory_space<hbm>> -> memref<10240x16xf32, #tpu.memory_space<hbm>>
    tpu.enqueue_indirect_dma source(%dma_start3A_31 : memref<10240x16xf32, #tpu.memory_space<hbm>>) target(%arg12 : memref<128x16xf32, #tpu.memory_space<vmem>>) offsets(%dma_start3A_28 : memref<128xi32, #tpu.memory_space<vmem>>) semaphore(%arg17 : memref<!tpu.dma_semaphore, #tpu.memory_space<semaphore_mem>>)
    %scan3A = arith.constant 0 : i32
    %scan3A_32 = arith.constant 19 : i32
    %scan3A_33 = arith.addi %scan3A, %scan3A_32 : i32
    %scan3A_34 = arith.constant 1 : i32
    scf.for %scan3A_120 = %scan3A to %scan3A_33 step %scan3A_34  : i32 {
      %mul3A_121 = arith.constant 4 : i32
      %mul3A_122 = arith.muli %scan3A_120, %mul3A_121 : i32
      %add3A_123 = arith.constant 0 : i32
      %add3A_124 = arith.addi %add3A_123, %mul3A_122 : i32
      %add3A_125 = arith.constant 0 : i32
      %add3A_126 = arith.addi %add3A_124, %add3A_125 : i32
      %dma_wait3A_127 = arith.constant 0 : i32
      %dma_wait3A_128 = tpu.memref_slice %arg7[%add3A_126, %dma_wait3A_127] : memref<80x128xi32, #tpu.memory_space<vmem>> -> memref<1x128xi32, #tpu.memory_space<vmem>>
      %dma_wait3A_129 = tpu.memref_squeeze %dma_wait3A_128 : memref<1x128xi32, #tpu.memory_space<vmem>> -> memref<128xi32, #tpu.memory_space<vmem>>
      %dma_wait3A_130 = arith.constant 0 : i32
      %dma_wait3A_131 = arith.constant 0 : i32
      %dma_wait3A_132 = tpu.memref_slice %arg2[%dma_wait3A_130, %dma_wait3A_131] : memref<10240x16xf32, #tpu.memory_space<hbm>> -> memref<10240x16xf32, #tpu.memory_space<hbm>>
      tpu.wait_indirect_dma semaphore(%arg14 : memref<!tpu.dma_semaphore, #tpu.memory_space<semaphore_mem>>) src(%dma_wait3A_132 : memref<10240x16xf32, #tpu.memory_space<hbm>>) dst(%arg9 : memref<128x16xf32, #tpu.memory_space<vmem>>)
      %add3A_133 = arith.constant 0 : i32
      %add3A_134 = arith.addi %add3A_124, %add3A_133 : i32
      %dma_start3A_135 = arith.constant 0 : i32
      %dma_start3A_136 = tpu.memref_slice %arg8[%add3A_134, %dma_start3A_135] : memref<80x128xi32, #tpu.memory_space<vmem>> -> memref<1x128xi32, #tpu.memory_space<vmem>>
      %dma_start3A_137 = tpu.memref_squeeze %dma_start3A_136 : memref<1x128xi32, #tpu.memory_space<vmem>> -> memref<128xi32, #tpu.memory_space<vmem>>
      %dma_start3A_138 = arith.constant 0 : i32
      %dma_start3A_139 = arith.constant 0 : i32
      %dma_start3A_140 = tpu.memref_slice %arg13[%dma_start3A_138, %dma_start3A_139] : memref<10240x16xf32, #tpu.memory_space<vmem_shared>> -> memref<10240x16xf32, #tpu.memory_space<vmem_shared>>
      tpu.enqueue_indirect_dma source(%arg9 : memref<128x16xf32, #tpu.memory_space<vmem>>) target(%dma_start3A_140 : memref<10240x16xf32, #tpu.memory_space<vmem_shared>>) offsets(%dma_start3A_137 : memref<128xi32, #tpu.memory_space<vmem>>) semaphore(%arg18 : memref<!tpu.dma_semaphore, #tpu.memory_space<semaphore_mem>>) {add = true}
      %add3A_141 = arith.constant 1 : i32
      %add3A_142 = arith.addi %add3A_124, %add3A_141 : i32
      %dma_wait3A_143 = arith.constant 0 : i32
      %dma_wait3A_144 = tpu.memref_slice %arg7[%add3A_142, %dma_wait3A_143] : memref<80x128xi32, #tpu.memory_space<vmem>> -> memref<1x128xi32, #tpu.memory_space<vmem>>
      %dma_wait3A_145 = tpu.memref_squeeze %dma_wait3A_144 : memref<1x128xi32, #tpu.memory_space<vmem>> -> memref<128xi32, #tpu.memory_space<vmem>>
      %dma_wait3A_146 = arith.constant 0 : i32
      %dma_wait3A_147 = arith.constant 0 : i32
      %dma_wait3A_148 = tpu.memref_slice %arg2[%dma_wait3A_146, %dma_wait3A_147] : memref<10240x16xf32, #tpu.memory_space<hbm>> -> memref<10240x16xf32, #tpu.memory_space<hbm>>
      tpu.wait_indirect_dma semaphore(%arg15 : memref<!tpu.dma_semaphore, #tpu.memory_space<semaphore_mem>>) src(%dma_wait3A_148 : memref<10240x16xf32, #tpu.memory_space<hbm>>) dst(%arg10 : memref<128x16xf32, #tpu.memory_space<vmem>>)
      %add3A_149 = arith.constant 1 : i32
      %add3A_150 = arith.addi %add3A_124, %add3A_149 : i32
      %dma_start3A_151 = arith.constant 0 : i32
      %dma_start3A_152 = tpu.memref_slice %arg8[%add3A_150, %dma_start3A_151] : memref<80x128xi32, #tpu.memory_space<vmem>> -> memref<1x128xi32, #tpu.memory_space<vmem>>
      %dma_start3A_153 = tpu.memref_squeeze %dma_start3A_152 : memref<1x128xi32, #tpu.memory_space<vmem>> -> memref<128xi32, #tpu.memory_space<vmem>>
      %dma_start3A_154 = arith.constant 0 : i32
      %dma_start3A_155 = arith.constant 0 : i32
      %dma_start3A_156 = tpu.memref_slice %arg13[%dma_start3A_154, %dma_start3A_155] : memref<10240x16xf32, #tpu.memory_space<vmem_shared>> -> memref<10240x16xf32, #tpu.memory_space<vmem_shared>>
      tpu.enqueue_indirect_dma source(%arg10 : memref<128x16xf32, #tpu.memory_space<vmem>>) target(%dma_start3A_156 : memref<10240x16xf32, #tpu.memory_space<vmem_shared>>) offsets(%dma_start3A_153 : memref<128xi32, #tpu.memory_space<vmem>>) semaphore(%arg19 : memref<!tpu.dma_semaphore, #tpu.memory_space<semaphore_mem>>) {add = true}
      %add3A_157 = arith.constant 2 : i32
      %add3A_158 = arith.addi %add3A_124, %add3A_157 : i32
      %dma_wait3A_159 = arith.constant 0 : i32
      %dma_wait3A_160 = tpu.memref_slice %arg7[%add3A_158, %dma_wait3A_159] : memref<80x128xi32, #tpu.memory_space<vmem>> -> memref<1x128xi32, #tpu.memory_space<vmem>>
      %dma_wait3A_161 = tpu.memref_squeeze %dma_wait3A_160 : memref<1x128xi32, #tpu.memory_space<vmem>> -> memref<128xi32, #tpu.memory_space<vmem>>
      %dma_wait3A_162 = arith.constant 0 : i32
      %dma_wait3A_163 = arith.constant 0 : i32
      %dma_wait3A_164 = tpu.memref_slice %arg2[%dma_wait3A_162, %dma_wait3A_163] : memref<10240x16xf32, #tpu.memory_space<hbm>> -> memref<10240x16xf32, #tpu.memory_space<hbm>>
      tpu.wait_indirect_dma semaphore(%arg16 : memref<!tpu.dma_semaphore, #tpu.memory_space<semaphore_mem>>) src(%dma_wait3A_164 : memref<10240x16xf32, #tpu.memory_space<hbm>>) dst(%arg11 : memref<128x16xf32, #tpu.memory_space<vmem>>)
      %add3A_165 = arith.constant 2 : i32
      %add3A_166 = arith.addi %add3A_124, %add3A_165 : i32
      %dma_start3A_167 = arith.constant 0 : i32
      %dma_start3A_168 = tpu.memref_slice %arg8[%add3A_166, %dma_start3A_167] : memref<80x128xi32, #tpu.memory_space<vmem>> -> memref<1x128xi32, #tpu.memory_space<vmem>>
      %dma_start3A_169 = tpu.memref_squeeze %dma_start3A_168 : memref<1x128xi32, #tpu.memory_space<vmem>> -> memref<128xi32, #tpu.memory_space<vmem>>
      %dma_start3A_170 = arith.constant 0 : i32
      %dma_start3A_171 = arith.constant 0 : i32
      %dma_start3A_172 = tpu.memref_slice %arg13[%dma_start3A_170, %dma_start3A_171] : memref<10240x16xf32, #tpu.memory_space<vmem_shared>> -> memref<10240x16xf32, #tpu.memory_space<vmem_shared>>
      tpu.enqueue_indirect_dma source(%arg11 : memref<128x16xf32, #tpu.memory_space<vmem>>) target(%dma_start3A_172 : memref<10240x16xf32, #tpu.memory_space<vmem_shared>>) offsets(%dma_start3A_169 : memref<128xi32, #tpu.memory_space<vmem>>) semaphore(%arg20 : memref<!tpu.dma_semaphore, #tpu.memory_space<semaphore_mem>>) {add = true}
      %add3A_173 = arith.constant 3 : i32
      %add3A_174 = arith.addi %add3A_124, %add3A_173 : i32
      %dma_wait3A_175 = arith.constant 0 : i32
      %dma_wait3A_176 = tpu.memref_slice %arg7[%add3A_174, %dma_wait3A_175] : memref<80x128xi32, #tpu.memory_space<vmem>> -> memref<1x128xi32, #tpu.memory_space<vmem>>
      %dma_wait3A_177 = tpu.memref_squeeze %dma_wait3A_176 : memref<1x128xi32, #tpu.memory_space<vmem>> -> memref<128xi32, #tpu.memory_space<vmem>>
      %dma_wait3A_178 = arith.constant 0 : i32
      %dma_wait3A_179 = arith.constant 0 : i32
      %dma_wait3A_180 = tpu.memref_slice %arg2[%dma_wait3A_178, %dma_wait3A_179] : memref<10240x16xf32, #tpu.memory_space<hbm>> -> memref<10240x16xf32, #tpu.memory_space<hbm>>
      tpu.wait_indirect_dma semaphore(%arg17 : memref<!tpu.dma_semaphore, #tpu.memory_space<semaphore_mem>>) src(%dma_wait3A_180 : memref<10240x16xf32, #tpu.memory_space<hbm>>) dst(%arg12 : memref<128x16xf32, #tpu.memory_space<vmem>>)
      %add3A_181 = arith.constant 3 : i32
      %add3A_182 = arith.addi %add3A_124, %add3A_181 : i32
      %dma_start3A_183 = arith.constant 0 : i32
      %dma_start3A_184 = tpu.memref_slice %arg8[%add3A_182, %dma_start3A_183] : memref<80x128xi32, #tpu.memory_space<vmem>> -> memref<1x128xi32, #tpu.memory_space<vmem>>
      %dma_start3A_185 = tpu.memref_squeeze %dma_start3A_184 : memref<1x128xi32, #tpu.memory_space<vmem>> -> memref<128xi32, #tpu.memory_space<vmem>>
      %dma_start3A_186 = arith.constant 0 : i32
      %dma_start3A_187 = arith.constant 0 : i32
      %dma_start3A_188 = tpu.memref_slice %arg13[%dma_start3A_186, %dma_start3A_187] : memref<10240x16xf32, #tpu.memory_space<vmem_shared>> -> memref<10240x16xf32, #tpu.memory_space<vmem_shared>>
      tpu.enqueue_indirect_dma source(%arg12 : memref<128x16xf32, #tpu.memory_space<vmem>>) target(%dma_start3A_188 : memref<10240x16xf32, #tpu.memory_space<vmem_shared>>) offsets(%dma_start3A_185 : memref<128xi32, #tpu.memory_space<vmem>>) semaphore(%arg21 : memref<!tpu.dma_semaphore, #tpu.memory_space<semaphore_mem>>) {add = true}
      %add3A_189 = arith.constant 0 : i32
      %add3A_190 = arith.addi %add3A_124, %add3A_189 : i32
      %dma_wait3A_191 = arith.constant 0 : i32
      %dma_wait3A_192 = tpu.memref_slice %arg8[%add3A_190, %dma_wait3A_191] : memref<80x128xi32, #tpu.memory_space<vmem>> -> memref<1x128xi32, #tpu.memory_space<vmem>>
      %dma_wait3A_193 = tpu.memref_squeeze %dma_wait3A_192 : memref<1x128xi32, #tpu.memory_space<vmem>> -> memref<128xi32, #tpu.memory_space<vmem>>
      %dma_wait3A_194 = arith.constant 0 : i32
      %dma_wait3A_195 = arith.constant 0 : i32
      %dma_wait3A_196 = tpu.memref_slice %arg13[%dma_wait3A_194, %dma_wait3A_195] : memref<10240x16xf32, #tpu.memory_space<vmem_shared>> -> memref<10240x16xf32, #tpu.memory_space<vmem_shared>>
      tpu.wait_indirect_dma semaphore(%arg18 : memref<!tpu.dma_semaphore, #tpu.memory_space<semaphore_mem>>) src(%arg9 : memref<128x16xf32, #tpu.memory_space<vmem>>) dst(%dma_wait3A_196 : memref<10240x16xf32, #tpu.memory_space<vmem_shared>>)
      %add3A_197 = arith.constant 0 : i32
      %add3A_198 = arith.addi %add3A_124, %add3A_197 : i32
      %add3A_199 = arith.constant 4 : i32
      %add3A_200 = arith.addi %add3A_198, %add3A_199 : i32
      %dma_start3A_201 = arith.constant 0 : i32
      %dma_start3A_202 = tpu.memref_slice %arg7[%add3A_200, %dma_start3A_201] : memref<80x128xi32, #tpu.memory_space<vmem>> -> memref<1x128xi32, #tpu.memory_space<vmem>>
      %dma_start3A_203 = tpu.memref_squeeze %dma_start3A_202 : memref<1x128xi32, #tpu.memory_space<vmem>> -> memref<128xi32, #tpu.memory_space<vmem>>
      %dma_start3A_204 = arith.constant 0 : i32
      %dma_start3A_205 = arith.constant 0 : i32
      %dma_start3A_206 = tpu.memref_slice %arg2[%dma_start3A_204, %dma_start3A_205] : memref<10240x16xf32, #tpu.memory_space<hbm>> -> memref<10240x16xf32, #tpu.memory_space<hbm>>
      tpu.enqueue_indirect_dma source(%dma_start3A_206 : memref<10240x16xf32, #tpu.memory_space<hbm>>) target(%arg9 : memref<128x16xf32, #tpu.memory_space<vmem>>) offsets(%dma_start3A_203 : memref<128xi32, #tpu.memory_space<vmem>>) semaphore(%arg14 : memref<!tpu.dma_semaphore, #tpu.memory_space<semaphore_mem>>)
      %add3A_207 = arith.constant 1 : i32
      %add3A_208 = arith.addi %add3A_124, %add3A_207 : i32
      %dma_wait3A_209 = arith.constant 0 : i32
      %dma_wait3A_210 = tpu.memref_slice %arg8[%add3A_208, %dma_wait3A_209] : memref<80x128xi32, #tpu.memory_space<vmem>> -> memref<1x128xi32, #tpu.memory_space<vmem>>
      %dma_wait3A_211 = tpu.memref_squeeze %dma_wait3A_210 : memref<1x128xi32, #tpu.memory_space<vmem>> -> memref<128xi32, #tpu.memory_space<vmem>>
      %dma_wait3A_212 = arith.constant 0 : i32
      %dma_wait3A_213 = arith.constant 0 : i32
      %dma_wait3A_214 = tpu.memref_slice %arg13[%dma_wait3A_212, %dma_wait3A_213] : memref<10240x16xf32, #tpu.memory_space<vmem_shared>> -> memref<10240x16xf32, #tpu.memory_space<vmem_shared>>
      tpu.wait_indirect_dma semaphore(%arg19 : memref<!tpu.dma_semaphore, #tpu.memory_space<semaphore_mem>>) src(%arg10 : memref<128x16xf32, #tpu.memory_space<vmem>>) dst(%dma_wait3A_214 : memref<10240x16xf32, #tpu.memory_space<vmem_shared>>)
      %add3A_215 = arith.constant 1 : i32
      %add3A_216 = arith.addi %add3A_124, %add3A_215 : i32
      %add3A_217 = arith.constant 4 : i32
      %add3A_218 = arith.addi %add3A_216, %add3A_217 : i32
      %dma_start3A_219 = arith.constant 0 : i32
      %dma_start3A_220 = tpu.memref_slice %arg7[%add3A_218, %dma_start3A_219] : memref<80x128xi32, #tpu.memory_space<vmem>> -> memref<1x128xi32, #tpu.memory_space<vmem>>
      %dma_start3A_221 = tpu.memref_squeeze %dma_start3A_220 : memref<1x128xi32, #tpu.memory_space<vmem>> -> memref<128xi32, #tpu.memory_space<vmem>>
      %dma_start3A_222 = arith.constant 0 : i32
      %dma_start3A_223 = arith.constant 0 : i32
      %dma_start3A_224 = tpu.memref_slice %arg2[%dma_start3A_222, %dma_start3A_223] : memref<10240x16xf32, #tpu.memory_space<hbm>> -> memref<10240x16xf32, #tpu.memory_space<hbm>>
      tpu.enqueue_indirect_dma source(%dma_start3A_224 : memref<10240x16xf32, #tpu.memory_space<hbm>>) target(%arg10 : memref<128x16xf32, #tpu.memory_space<vmem>>) offsets(%dma_start3A_221 : memref<128xi32, #tpu.memory_space<vmem>>) semaphore(%arg15 : memref<!tpu.dma_semaphore, #tpu.memory_space<semaphore_mem>>)
      %add3A_225 = arith.constant 2 : i32
      %add3A_226 = arith.addi %add3A_124, %add3A_225 : i32
      %dma_wait3A_227 = arith.constant 0 : i32
      %dma_wait3A_228 = tpu.memref_slice %arg8[%add3A_226, %dma_wait3A_227] : memref<80x128xi32, #tpu.memory_space<vmem>> -> memref<1x128xi32, #tpu.memory_space<vmem>>
      %dma_wait3A_229 = tpu.memref_squeeze %dma_wait3A_228 : memref<1x128xi32, #tpu.memory_space<vmem>> -> memref<128xi32, #tpu.memory_space<vmem>>
      %dma_wait3A_230 = arith.constant 0 : i32
      %dma_wait3A_231 = arith.constant 0 : i32
      %dma_wait3A_232 = tpu.memref_slice %arg13[%dma_wait3A_230, %dma_wait3A_231] : memref<10240x16xf32, #tpu.memory_space<vmem_shared>> -> memref<10240x16xf32, #tpu.memory_space<vmem_shared>>
      tpu.wait_indirect_dma semaphore(%arg20 : memref<!tpu.dma_semaphore, #tpu.memory_space<semaphore_mem>>) src(%arg11 : memref<128x16xf32, #tpu.memory_space<vmem>>) dst(%dma_wait3A_232 : memref<10240x16xf32, #tpu.memory_space<vmem_shared>>)
      %add3A_233 = arith.constant 2 : i32
      %add3A_234 = arith.addi %add3A_124, %add3A_233 : i32
      %add3A_235 = arith.constant 4 : i32
      %add3A_236 = arith.addi %add3A_234, %add3A_235 : i32
      %dma_start3A_237 = arith.constant 0 : i32
      %dma_start3A_238 = tpu.memref_slice %arg7[%add3A_236, %dma_start3A_237] : memref<80x128xi32, #tpu.memory_space<vmem>> -> memref<1x128xi32, #tpu.memory_space<vmem>>
      %dma_start3A_239 = tpu.memref_squeeze %dma_start3A_238 : memref<1x128xi32, #tpu.memory_space<vmem>> -> memref<128xi32, #tpu.memory_space<vmem>>
      %dma_start3A_240 = arith.constant 0 : i32
      %dma_start3A_241 = arith.constant 0 : i32
      %dma_start3A_242 = tpu.memref_slice %arg2[%dma_start3A_240, %dma_start3A_241] : memref<10240x16xf32, #tpu.memory_space<hbm>> -> memref<10240x16xf32, #tpu.memory_space<hbm>>
      tpu.enqueue_indirect_dma source(%dma_start3A_242 : memref<10240x16xf32, #tpu.memory_space<hbm>>) target(%arg11 : memref<128x16xf32, #tpu.memory_space<vmem>>) offsets(%dma_start3A_239 : memref<128xi32, #tpu.memory_space<vmem>>) semaphore(%arg16 : memref<!tpu.dma_semaphore, #tpu.memory_space<semaphore_mem>>)
      %add3A_243 = arith.constant 3 : i32
      %add3A_244 = arith.addi %add3A_124, %add3A_243 : i32
      %dma_wait3A_245 = arith.constant 0 : i32
      %dma_wait3A_246 = tpu.memref_slice %arg8[%add3A_244, %dma_wait3A_245] : memref<80x128xi32, #tpu.memory_space<vmem>> -> memref<1x128xi32, #tpu.memory_space<vmem>>
      %dma_wait3A_247 = tpu.memref_squeeze %dma_wait3A_246 : memref<1x128xi32, #tpu.memory_space<vmem>> -> memref<128xi32, #tpu.memory_space<vmem>>
      %dma_wait3A_248 = arith.constant 0 : i32
      %dma_wait3A_249 = arith.constant 0 : i32
      %dma_wait3A_250 = tpu.memref_slice %arg13[%dma_wait3A_248, %dma_wait3A_249] : memref<10240x16xf32, #tpu.memory_space<vmem_shared>> -> memref<10240x16xf32, #tpu.memory_space<vmem_shared>>
      tpu.wait_indirect_dma semaphore(%arg21 : memref<!tpu.dma_semaphore, #tpu.memory_space<semaphore_mem>>) src(%arg12 : memref<128x16xf32, #tpu.memory_space<vmem>>) dst(%dma_wait3A_250 : memref<10240x16xf32, #tpu.memory_space<vmem_shared>>)
      %add3A_251 = arith.constant 3 : i32
      %add3A_252 = arith.addi %add3A_124, %add3A_251 : i32
      %add3A_253 = arith.constant 4 : i32
      %add3A_254 = arith.addi %add3A_252, %add3A_253 : i32
      %dma_start3A_255 = arith.constant 0 : i32
      %dma_start3A_256 = tpu.memref_slice %arg7[%add3A_254, %dma_start3A_255] : memref<80x128xi32, #tpu.memory_space<vmem>> -> memref<1x128xi32, #tpu.memory_space<vmem>>
      %dma_start3A_257 = tpu.memref_squeeze %dma_start3A_256 : memref<1x128xi32, #tpu.memory_space<vmem>> -> memref<128xi32, #tpu.memory_space<vmem>>
      %dma_start3A_258 = arith.constant 0 : i32
      %dma_start3A_259 = arith.constant 0 : i32
      %dma_start3A_260 = tpu.memref_slice %arg2[%dma_start3A_258, %dma_start3A_259] : memref<10240x16xf32, #tpu.memory_space<hbm>> -> memref<10240x16xf32, #tpu.memory_space<hbm>>
      tpu.enqueue_indirect_dma source(%dma_start3A_260 : memref<10240x16xf32, #tpu.memory_space<hbm>>) target(%arg12 : memref<128x16xf32, #tpu.memory_space<vmem>>) offsets(%dma_start3A_257 : memref<128xi32, #tpu.memory_space<vmem>>) semaphore(%arg17 : memref<!tpu.dma_semaphore, #tpu.memory_space<semaphore_mem>>)
    }
    %scan3A_35 = arith.constant 19 : i32
    %dma_wait3A = arith.constant 76 : i32
    %dma_wait3A_36 = arith.constant 0 : i32
    %dma_wait3A_37 = tpu.memref_slice %arg7[%dma_wait3A, %dma_wait3A_36] : memref<80x128xi32, #tpu.memory_space<vmem>> -> memref<1x128xi32, #tpu.memory_space<vmem>>
    %dma_wait3A_38 = tpu.memref_squeeze %dma_wait3A_37 : memref<1x128xi32, #tpu.memory_space<vmem>> -> memref<128xi32, #tpu.memory_space<vmem>>
    %dma_wait3A_39 = arith.constant 0 : i32
    %dma_wait3A_40 = arith.constant 0 : i32
    %dma_wait3A_41 = tpu.memref_slice %arg2[%dma_wait3A_39, %dma_wait3A_40] : memref<10240x16xf32, #tpu.memory_space<hbm>> -> memref<10240x16xf32, #tpu.memory_space<hbm>>
    tpu.wait_indirect_dma semaphore(%arg14 : memref<!tpu.dma_semaphore, #tpu.memory_space<semaphore_mem>>) src(%dma_wait3A_41 : memref<10240x16xf32, #tpu.memory_space<hbm>>) dst(%arg9 : memref<128x16xf32, #tpu.memory_space<vmem>>)
    %dma_start3A_42 = arith.constant 76 : i32
    %dma_start3A_43 = arith.constant 0 : i32
    %dma_start3A_44 = tpu.memref_slice %arg8[%dma_start3A_42, %dma_start3A_43] : memref<80x128xi32, #tpu.memory_space<vmem>> -> memref<1x128xi32, #tpu.memory_space<vmem>>
    %dma_start3A_45 = tpu.memref_squeeze %dma_start3A_44 : memref<1x128xi32, #tpu.memory_space<vmem>> -> memref<128xi32, #tpu.memory_space<vmem>>
    %dma_start3A_46 = arith.constant 0 : i32
    %dma_start3A_47 = arith.constant 0 : i32
    %dma_start3A_48 = tpu.memref_slice %arg13[%dma_start3A_46, %dma_start3A_47] : memref<10240x16xf32, #tpu.memory_space<vmem_shared>> -> memref<10240x16xf32, #tpu.memory_space<vmem_shared>>
    tpu.enqueue_indirect_dma source(%arg9 : memref<128x16xf32, #tpu.memory_space<vmem>>) target(%dma_start3A_48 : memref<10240x16xf32, #tpu.memory_space<vmem_shared>>) offsets(%dma_start3A_45 : memref<128xi32, #tpu.memory_space<vmem>>) semaphore(%arg18 : memref<!tpu.dma_semaphore, #tpu.memory_space<semaphore_mem>>) {add = true}
    %dma_wait3A_49 = arith.constant 77 : i32
    %dma_wait3A_50 = arith.constant 0 : i32
    %dma_wait3A_51 = tpu.memref_slice %arg7[%dma_wait3A_49, %dma_wait3A_50] : memref<80x128xi32, #tpu.memory_space<vmem>> -> memref<1x128xi32, #tpu.memory_space<vmem>>
    %dma_wait3A_52 = tpu.memref_squeeze %dma_wait3A_51 : memref<1x128xi32, #tpu.memory_space<vmem>> -> memref<128xi32, #tpu.memory_space<vmem>>
    %dma_wait3A_53 = arith.constant 0 : i32
    %dma_wait3A_54 = arith.constant 0 : i32
    %dma_wait3A_55 = tpu.memref_slice %arg2[%dma_wait3A_53, %dma_wait3A_54] : memref<10240x16xf32, #tpu.memory_space<hbm>> -> memref<10240x16xf32, #tpu.memory_space<hbm>>
    tpu.wait_indirect_dma semaphore(%arg15 : memref<!tpu.dma_semaphore, #tpu.memory_space<semaphore_mem>>) src(%dma_wait3A_55 : memref<10240x16xf32, #tpu.memory_space<hbm>>) dst(%arg10 : memref<128x16xf32, #tpu.memory_space<vmem>>)
    %dma_start3A_56 = arith.constant 77 : i32
    %dma_start3A_57 = arith.constant 0 : i32
    %dma_start3A_58 = tpu.memref_slice %arg8[%dma_start3A_56, %dma_start3A_57] : memref<80x128xi32, #tpu.memory_space<vmem>> -> memref<1x128xi32, #tpu.memory_space<vmem>>
    %dma_start3A_59 = tpu.memref_squeeze %dma_start3A_58 : memref<1x128xi32, #tpu.memory_space<vmem>> -> memref<128xi32, #tpu.memory_space<vmem>>
    %dma_start3A_60 = arith.constant 0 : i32
    %dma_start3A_61 = arith.constant 0 : i32
    %dma_start3A_62 = tpu.memref_slice %arg13[%dma_start3A_60, %dma_start3A_61] : memref<10240x16xf32, #tpu.memory_space<vmem_shared>> -> memref<10240x16xf32, #tpu.memory_space<vmem_shared>>
    tpu.enqueue_indirect_dma source(%arg10 : memref<128x16xf32, #tpu.memory_space<vmem>>) target(%dma_start3A_62 : memref<10240x16xf32, #tpu.memory_space<vmem_shared>>) offsets(%dma_start3A_59 : memref<128xi32, #tpu.memory_space<vmem>>) semaphore(%arg19 : memref<!tpu.dma_semaphore, #tpu.memory_space<semaphore_mem>>) {add = true}
    %dma_wait3A_63 = arith.constant 78 : i32
    %dma_wait3A_64 = arith.constant 0 : i32
    %dma_wait3A_65 = tpu.memref_slice %arg7[%dma_wait3A_63, %dma_wait3A_64] : memref<80x128xi32, #tpu.memory_space<vmem>> -> memref<1x128xi32, #tpu.memory_space<vmem>>
    %dma_wait3A_66 = tpu.memref_squeeze %dma_wait3A_65 : memref<1x128xi32, #tpu.memory_space<vmem>> -> memref<128xi32, #tpu.memory_space<vmem>>
    %dma_wait3A_67 = arith.constant 0 : i32
    %dma_wait3A_68 = arith.constant 0 : i32
    %dma_wait3A_69 = tpu.memref_slice %arg2[%dma_wait3A_67, %dma_wait3A_68] : memref<10240x16xf32, #tpu.memory_space<hbm>> -> memref<10240x16xf32, #tpu.memory_space<hbm>>
    tpu.wait_indirect_dma semaphore(%arg16 : memref<!tpu.dma_semaphore, #tpu.memory_space<semaphore_mem>>) src(%dma_wait3A_69 : memref<10240x16xf32, #tpu.memory_space<hbm>>) dst(%arg11 : memref<128x16xf32, #tpu.memory_space<vmem>>)
    %dma_start3A_70 = arith.constant 78 : i32
    %dma_start3A_71 = arith.constant 0 : i32
    %dma_start3A_72 = tpu.memref_slice %arg8[%dma_start3A_70, %dma_start3A_71] : memref<80x128xi32, #tpu.memory_space<vmem>> -> memref<1x128xi32, #tpu.memory_space<vmem>>
    %dma_start3A_73 = tpu.memref_squeeze %dma_start3A_72 : memref<1x128xi32, #tpu.memory_space<vmem>> -> memref<128xi32, #tpu.memory_space<vmem>>
    %dma_start3A_74 = arith.constant 0 : i32
    %dma_start3A_75 = arith.constant 0 : i32
    %dma_start3A_76 = tpu.memref_slice %arg13[%dma_start3A_74, %dma_start3A_75] : memref<10240x16xf32, #tpu.memory_space<vmem_shared>> -> memref<10240x16xf32, #tpu.memory_space<vmem_shared>>
    tpu.enqueue_indirect_dma source(%arg11 : memref<128x16xf32, #tpu.memory_space<vmem>>) target(%dma_start3A_76 : memref<10240x16xf32, #tpu.memory_space<vmem_shared>>) offsets(%dma_start3A_73 : memref<128xi32, #tpu.memory_space<vmem>>) semaphore(%arg20 : memref<!tpu.dma_semaphore, #tpu.memory_space<semaphore_mem>>) {add = true}
    %dma_wait3A_77 = arith.constant 79 : i32
    %dma_wait3A_78 = arith.constant 0 : i32
    %dma_wait3A_79 = tpu.memref_slice %arg7[%dma_wait3A_77, %dma_wait3A_78] : memref<80x128xi32, #tpu.memory_space<vmem>> -> memref<1x128xi32, #tpu.memory_space<vmem>>
    %dma_wait3A_80 = tpu.memref_squeeze %dma_wait3A_79 : memref<1x128xi32, #tpu.memory_space<vmem>> -> memref<128xi32, #tpu.memory_space<vmem>>
    %dma_wait3A_81 = arith.constant 0 : i32
    %dma_wait3A_82 = arith.constant 0 : i32
    %dma_wait3A_83 = tpu.memref_slice %arg2[%dma_wait3A_81, %dma_wait3A_82] : memref<10240x16xf32, #tpu.memory_space<hbm>> -> memref<10240x16xf32, #tpu.memory_space<hbm>>
    tpu.wait_indirect_dma semaphore(%arg17 : memref<!tpu.dma_semaphore, #tpu.memory_space<semaphore_mem>>) src(%dma_wait3A_83 : memref<10240x16xf32, #tpu.memory_space<hbm>>) dst(%arg12 : memref<128x16xf32, #tpu.memory_space<vmem>>)
    %dma_start3A_84 = arith.constant 79 : i32
    %dma_start3A_85 = arith.constant 0 : i32
    %dma_start3A_86 = tpu.memref_slice %arg8[%dma_start3A_84, %dma_start3A_85] : memref<80x128xi32, #tpu.memory_space<vmem>> -> memref<1x128xi32, #tpu.memory_space<vmem>>
    %dma_start3A_87 = tpu.memref_squeeze %dma_start3A_86 : memref<1x128xi32, #tpu.memory_space<vmem>> -> memref<128xi32, #tpu.memory_space<vmem>>
    %dma_start3A_88 = arith.constant 0 : i32
    %dma_start3A_89 = arith.constant 0 : i32
    %dma_start3A_90 = tpu.memref_slice %arg13[%dma_start3A_88, %dma_start3A_89] : memref<10240x16xf32, #tpu.memory_space<vmem_shared>> -> memref<10240x16xf32, #tpu.memory_space<vmem_shared>>
    tpu.enqueue_indirect_dma source(%arg12 : memref<128x16xf32, #tpu.memory_space<vmem>>) target(%dma_start3A_90 : memref<10240x16xf32, #tpu.memory_space<vmem_shared>>) offsets(%dma_start3A_87 : memref<128xi32, #tpu.memory_space<vmem>>) semaphore(%arg21 : memref<!tpu.dma_semaphore, #tpu.memory_space<semaphore_mem>>) {add = true}
    %dma_wait3A_91 = arith.constant 76 : i32
    %dma_wait3A_92 = arith.constant 0 : i32
    %dma_wait3A_93 = tpu.memref_slice %arg8[%dma_wait3A_91, %dma_wait3A_92] : memref<80x128xi32, #tpu.memory_space<vmem>> -> memref<1x128xi32, #tpu.memory_space<vmem>>
    %dma_wait3A_94 = tpu.memref_squeeze %dma_wait3A_93 : memref<1x128xi32, #tpu.memory_space<vmem>> -> memref<128xi32, #tpu.memory_space<vmem>>
    %dma_wait3A_95 = arith.constant 0 : i32
    %dma_wait3A_96 = arith.constant 0 : i32
    %dma_wait3A_97 = tpu.memref_slice %arg13[%dma_wait3A_95, %dma_wait3A_96] : memref<10240x16xf32, #tpu.memory_space<vmem_shared>> -> memref<10240x16xf32, #tpu.memory_space<vmem_shared>>
    tpu.wait_indirect_dma semaphore(%arg18 : memref<!tpu.dma_semaphore, #tpu.memory_space<semaphore_mem>>) src(%arg9 : memref<128x16xf32, #tpu.memory_space<vmem>>) dst(%dma_wait3A_97 : memref<10240x16xf32, #tpu.memory_space<vmem_shared>>)
    %dma_wait3A_98 = arith.constant 77 : i32
    %dma_wait3A_99 = arith.constant 0 : i32
    %dma_wait3A_100 = tpu.memref_slice %arg8[%dma_wait3A_98, %dma_wait3A_99] : memref<80x128xi32, #tpu.memory_space<vmem>> -> memref<1x128xi32, #tpu.memory_space<vmem>>
    %dma_wait3A_101 = tpu.memref_squeeze %dma_wait3A_100 : memref<1x128xi32, #tpu.memory_space<vmem>> -> memref<128xi32, #tpu.memory_space<vmem>>
    %dma_wait3A_102 = arith.constant 0 : i32
    %dma_wait3A_103 = arith.constant 0 : i32
    %dma_wait3A_104 = tpu.memref_slice %arg13[%dma_wait3A_102, %dma_wait3A_103] : memref<10240x16xf32, #tpu.memory_space<vmem_shared>> -> memref<10240x16xf32, #tpu.memory_space<vmem_shared>>
    tpu.wait_indirect_dma semaphore(%arg19 : memref<!tpu.dma_semaphore, #tpu.memory_space<semaphore_mem>>) src(%arg10 : memref<128x16xf32, #tpu.memory_space<vmem>>) dst(%dma_wait3A_104 : memref<10240x16xf32, #tpu.memory_space<vmem_shared>>)
    %dma_wait3A_105 = arith.constant 78 : i32
    %dma_wait3A_106 = arith.constant 0 : i32
    %dma_wait3A_107 = tpu.memref_slice %arg8[%dma_wait3A_105, %dma_wait3A_106] : memref<80x128xi32, #tpu.memory_space<vmem>> -> memref<1x128xi32, #tpu.memory_space<vmem>>
    %dma_wait3A_108 = tpu.memref_squeeze %dma_wait3A_107 : memref<1x128xi32, #tpu.memory_space<vmem>> -> memref<128xi32, #tpu.memory_space<vmem>>
    %dma_wait3A_109 = arith.constant 0 : i32
    %dma_wait3A_110 = arith.constant 0 : i32
    %dma_wait3A_111 = tpu.memref_slice %arg13[%dma_wait3A_109, %dma_wait3A_110] : memref<10240x16xf32, #tpu.memory_space<vmem_shared>> -> memref<10240x16xf32, #tpu.memory_space<vmem_shared>>
    tpu.wait_indirect_dma semaphore(%arg20 : memref<!tpu.dma_semaphore, #tpu.memory_space<semaphore_mem>>) src(%arg11 : memref<128x16xf32, #tpu.memory_space<vmem>>) dst(%dma_wait3A_111 : memref<10240x16xf32, #tpu.memory_space<vmem_shared>>)
    %dma_wait3A_112 = arith.constant 79 : i32
    %dma_wait3A_113 = arith.constant 0 : i32
    %dma_wait3A_114 = tpu.memref_slice %arg8[%dma_wait3A_112, %dma_wait3A_113] : memref<80x128xi32, #tpu.memory_space<vmem>> -> memref<1x128xi32, #tpu.memory_space<vmem>>
    %dma_wait3A_115 = tpu.memref_squeeze %dma_wait3A_114 : memref<1x128xi32, #tpu.memory_space<vmem>> -> memref<128xi32, #tpu.memory_space<vmem>>
    %dma_wait3A_116 = arith.constant 0 : i32
    %dma_wait3A_117 = arith.constant 0 : i32
    %dma_wait3A_118 = tpu.memref_slice %arg13[%dma_wait3A_116, %dma_wait3A_117] : memref<10240x16xf32, #tpu.memory_space<vmem_shared>> -> memref<10240x16xf32, #tpu.memory_space<vmem_shared>>
    tpu.wait_indirect_dma semaphore(%arg21 : memref<!tpu.dma_semaphore, #tpu.memory_space<semaphore_mem>>) src(%arg12 : memref<128x16xf32, #tpu.memory_space<vmem>>) dst(%dma_wait3A_118 : memref<10240x16xf32, #tpu.memory_space<vmem_shared>>)
    %barrier3A_119 = arith.constant 0 : index
    tpu.barrier barrier_id(%barrier3A_119)
    "tpu.region"() ({
      %run_scoped3A = tpu.sem_alloc : memref<!tpu.dma_semaphore, #tpu.memory_space<semaphore_mem>>
      %dma_start3A_120 = arith.constant 0 : i32
      %dma_start3A_121 = tpu.memref_slice %arg6[%arg0, %mul3A_2, %dma_start3A_120] : memref<2x10240x16xf32, #tpu.memory_space<hbm>> -> memref<1x640x16xf32, #tpu.memory_space<hbm>>
      %dma_start3A_122 = tpu.memref_squeeze %dma_start3A_121 : memref<1x640x16xf32, #tpu.memory_space<hbm>> -> memref<640x16xf32, #tpu.memory_space<hbm>>
      %dma_start3A_123 = arith.constant 0 : i32
      %dma_start3A_124 = tpu.memref_slice %arg13[%mul3A_2, %dma_start3A_123] : memref<10240x16xf32, #tpu.memory_space<vmem_shared>> -> memref<640x16xf32, #tpu.memory_space<vmem_shared>>
      tpu.enqueue_dma source(%dma_start3A_124 : memref<640x16xf32, #tpu.memory_space<vmem_shared>>) target(%dma_start3A_122 : memref<640x16xf32, #tpu.memory_space<hbm>>) target_semaphore(%run_scoped3A : memref<!tpu.dma_semaphore, #tpu.memory_space<semaphore_mem>>)
      %dma_wait3A_125 = arith.constant 0 : i32
      %dma_wait3A_126 = tpu.memref_slice %arg6[%arg0, %mul3A_2, %dma_wait3A_125] : memref<2x10240x16xf32, #tpu.memory_space<hbm>> -> memref<1x640x16xf32, #tpu.memory_space<hbm>>
      %dma_wait3A_127 = tpu.memref_squeeze %dma_wait3A_126 : memref<1x640x16xf32, #tpu.memory_space<hbm>> -> memref<640x16xf32, #tpu.memory_space<hbm>>
      %dma_wait3A_128 = arith.constant 0 : i32
      %dma_wait3A_129 = tpu.memref_slice %arg13[%mul3A_2, %dma_wait3A_128] : memref<10240x16xf32, #tpu.memory_space<vmem_shared>> -> memref<640x16xf32, #tpu.memory_space<vmem_shared>>
      tpu.wait_dma2 semaphore(%run_scoped3A : memref<!tpu.dma_semaphore, #tpu.memory_space<semaphore_mem>>) src(%dma_wait3A_129 : memref<640x16xf32, #tpu.memory_space<vmem_shared>>) dst(%dma_wait3A_127 : memref<640x16xf32, #tpu.memory_space<hbm>>)
      tpu.yield
    }) : () -> ()
    return
  }
}

#map = affine_map<(d0, d1) -> (0, 0)>
#map1 = affine_map<(d0, d1) -> (0, 0, 0)>
module attributes {stable_mosaic.version = 14 : i64} {
  func.func @k(%arg0: i32, %arg1: i32, %arg2: memref<10000x128xf32, #tpu.memory_space<hbm>>, %arg3: memref<5120x64xi32, #tpu.memory_space<hbm>>, %arg4: memref<5120x64xi32, #tpu.memory_space<hbm>>, %arg5: memref<10240x128xf32, #tpu.memory_space<hbm>>, %arg6: memref<10240x16xf32, #tpu.memory_space<hbm>>, %arg7: memref<64x16xf32, #tpu.memory_space<hbm>>, %arg8: memref<2x10240x128xf32, #tpu.memory_space<hbm>>, %arg9: memref<2x10240x16xf32, #tpu.memory_space<hbm>>, %arg10: memref<160x64xi32, #tpu.memory_space<vmem>>, %arg11: memref<160x64xi32, #tpu.memory_space<vmem>>, %arg12: memref<64x128xf32, #tpu.memory_space<vmem>>, %arg13: memref<64x128xf32, #tpu.memory_space<vmem>>, %arg14: memref<10240x128xf32, #tpu.memory_space<vmem_shared>>, %arg15: memref<64x16xf32, #tpu.memory_space<vmem>>, %arg16: memref<10240x16xf32, #tpu.memory_space<vmem_shared>>, %arg17: memref<!tpu.dma_semaphore, #tpu.memory_space<semaphore_mem>>, %arg18: memref<!tpu.dma_semaphore, #tpu.memory_space<semaphore_mem>>, %arg19: memref<!tpu.dma_semaphore, #tpu.memory_space<semaphore_mem>>, %arg20: memref<!tpu.dma_semaphore, #tpu.memory_space<semaphore_mem>>, %arg21: memref<!tpu.dma_semaphore, #tpu.memory_space<semaphore_mem>>) attributes {dimension_semantics = [#tpu.dimension_semantics<core_parallel>, #tpu.dimension_semantics<subcore_parallel>], iteration_bounds = array<i64: 2, 16>, scalar_prefetch = 0 : i64, scratch_operands = 12 : i64, tpu.core_type = #tpu.core_type<sc_vector_subcore>, window_params = [{transform_indices = #map}, {transform_indices = #map}, {transform_indices = #map}, {transform_indices = #map}, {transform_indices = #map}, {transform_indices = #map}, {transform_indices = #map1}, {transform_indices = #map1}]} {
    %mul3A = arith.constant 16 : i32
    %mul3A_0 = arith.muli %arg0, %mul3A : i32
    %add3A = arith.addi %mul3A_0, %arg1 : i32
    %mul3A_1 = arith.constant 640 : i32
    %mul3A_2 = arith.muli %arg1, %mul3A_1 : i32
    "tpu.region"() ({
      %run_scoped3A = tpu.sem_alloc : memref<!tpu.dma_semaphore, #tpu.memory_space<semaphore_mem>>
      %dma_start3A_83 = arith.constant 0 : i32
      %dma_start3A_84 = tpu.memref_slice %arg14[%mul3A_2, %dma_start3A_83] : memref<10240x128xf32, #tpu.memory_space<vmem_shared>> -> memref<640x128xf32, #tpu.memory_space<vmem_shared>>
      %dma_start3A_85 = arith.constant 0 : i32
      %dma_start3A_86 = tpu.memref_slice %arg5[%mul3A_2, %dma_start3A_85] : memref<10240x128xf32, #tpu.memory_space<hbm>> -> memref<640x128xf32, #tpu.memory_space<hbm>>
      tpu.enqueue_dma source(%dma_start3A_86 : memref<640x128xf32, #tpu.memory_space<hbm>>) target(%dma_start3A_84 : memref<640x128xf32, #tpu.memory_space<vmem_shared>>) target_semaphore(%run_scoped3A : memref<!tpu.dma_semaphore, #tpu.memory_space<semaphore_mem>>)
      %dma_wait3A_87 = arith.constant 0 : i32
      %dma_wait3A_88 = tpu.memref_slice %arg14[%mul3A_2, %dma_wait3A_87] : memref<10240x128xf32, #tpu.memory_space<vmem_shared>> -> memref<640x128xf32, #tpu.memory_space<vmem_shared>>
      %dma_wait3A_89 = arith.constant 0 : i32
      %dma_wait3A_90 = tpu.memref_slice %arg5[%mul3A_2, %dma_wait3A_89] : memref<10240x128xf32, #tpu.memory_space<hbm>> -> memref<640x128xf32, #tpu.memory_space<hbm>>
      tpu.wait_dma2 semaphore(%run_scoped3A : memref<!tpu.dma_semaphore, #tpu.memory_space<semaphore_mem>>) src(%dma_wait3A_90 : memref<640x128xf32, #tpu.memory_space<hbm>>) dst(%dma_wait3A_88 : memref<640x128xf32, #tpu.memory_space<vmem_shared>>)
      tpu.yield
    }) : () -> ()
    "tpu.region"() ({
      %run_scoped3A = tpu.sem_alloc : memref<!tpu.dma_semaphore, #tpu.memory_space<semaphore_mem>>
      %dma_start3A_83 = arith.constant 0 : i32
      %dma_start3A_84 = tpu.memref_slice %arg16[%mul3A_2, %dma_start3A_83] : memref<10240x16xf32, #tpu.memory_space<vmem_shared>> -> memref<640x16xf32, #tpu.memory_space<vmem_shared>>
      %dma_start3A_85 = arith.constant 0 : i32
      %dma_start3A_86 = tpu.memref_slice %arg6[%mul3A_2, %dma_start3A_85] : memref<10240x16xf32, #tpu.memory_space<hbm>> -> memref<640x16xf32, #tpu.memory_space<hbm>>
      tpu.enqueue_dma source(%dma_start3A_86 : memref<640x16xf32, #tpu.memory_space<hbm>>) target(%dma_start3A_84 : memref<640x16xf32, #tpu.memory_space<vmem_shared>>) target_semaphore(%run_scoped3A : memref<!tpu.dma_semaphore, #tpu.memory_space<semaphore_mem>>)
      %dma_wait3A_87 = arith.constant 0 : i32
      %dma_wait3A_88 = tpu.memref_slice %arg16[%mul3A_2, %dma_wait3A_87] : memref<10240x16xf32, #tpu.memory_space<vmem_shared>> -> memref<640x16xf32, #tpu.memory_space<vmem_shared>>
      %dma_wait3A_89 = arith.constant 0 : i32
      %dma_wait3A_90 = tpu.memref_slice %arg6[%mul3A_2, %dma_wait3A_89] : memref<10240x16xf32, #tpu.memory_space<hbm>> -> memref<640x16xf32, #tpu.memory_space<hbm>>
      tpu.wait_dma2 semaphore(%run_scoped3A : memref<!tpu.dma_semaphore, #tpu.memory_space<semaphore_mem>>) src(%dma_wait3A_90 : memref<640x16xf32, #tpu.memory_space<hbm>>) dst(%dma_wait3A_88 : memref<640x16xf32, #tpu.memory_space<vmem_shared>>)
      tpu.yield
    }) : () -> ()
    "tpu.region"() ({
      %run_scoped3A = tpu.sem_alloc : memref<!tpu.dma_semaphore, #tpu.memory_space<semaphore_mem>>
      tpu.enqueue_dma source(%arg7 : memref<64x16xf32, #tpu.memory_space<hbm>>) target(%arg15 : memref<64x16xf32, #tpu.memory_space<vmem>>) target_semaphore(%run_scoped3A : memref<!tpu.dma_semaphore, #tpu.memory_space<semaphore_mem>>)
      tpu.wait_dma2 semaphore(%run_scoped3A : memref<!tpu.dma_semaphore, #tpu.memory_space<semaphore_mem>>) src(%arg7 : memref<64x16xf32, #tpu.memory_space<hbm>>) dst(%arg15 : memref<64x16xf32, #tpu.memory_space<vmem>>)
      tpu.yield
    }) : () -> ()
    %mul3A_3 = arith.constant 160 : i32
    %mul3A_4 = arith.muli %add3A, %mul3A_3 : i32
    "tpu.region"() ({
      %run_scoped3A = tpu.sem_alloc : memref<!tpu.dma_semaphore, #tpu.memory_space<semaphore_mem>>
      %dma_start3A_83 = arith.constant 0 : i32
      %dma_start3A_84 = tpu.memref_slice %arg3[%mul3A_4, %dma_start3A_83] : memref<5120x64xi32, #tpu.memory_space<hbm>> -> memref<160x64xi32, #tpu.memory_space<hbm>>
      %dma_start3A_85 = arith.constant 0 : i32
      %dma_start3A_86 = tpu.memref_slice %arg3[%mul3A_4, %dma_start3A_85] : memref<5120x64xi32, #tpu.memory_space<hbm>> -> memref<160x64xi32, #tpu.memory_space<hbm>>
      tpu.enqueue_dma source(%dma_start3A_86 : memref<160x64xi32, #tpu.memory_space<hbm>>) target(%arg10 : memref<160x64xi32, #tpu.memory_space<vmem>>) target_semaphore(%run_scoped3A : memref<!tpu.dma_semaphore, #tpu.memory_space<semaphore_mem>>)
      %dma_wait3A_87 = arith.constant 0 : i32
      %dma_wait3A_88 = tpu.memref_slice %arg3[%mul3A_4, %dma_wait3A_87] : memref<5120x64xi32, #tpu.memory_space<hbm>> -> memref<160x64xi32, #tpu.memory_space<hbm>>
      %dma_wait3A_89 = arith.constant 0 : i32
      %dma_wait3A_90 = tpu.memref_slice %arg3[%mul3A_4, %dma_wait3A_89] : memref<5120x64xi32, #tpu.memory_space<hbm>> -> memref<160x64xi32, #tpu.memory_space<hbm>>
      tpu.wait_dma2 semaphore(%run_scoped3A : memref<!tpu.dma_semaphore, #tpu.memory_space<semaphore_mem>>) src(%dma_wait3A_90 : memref<160x64xi32, #tpu.memory_space<hbm>>) dst(%arg10 : memref<160x64xi32, #tpu.memory_space<vmem>>)
      tpu.yield
    }) : () -> ()
    "tpu.region"() ({
      %run_scoped3A = tpu.sem_alloc : memref<!tpu.dma_semaphore, #tpu.memory_space<semaphore_mem>>
      %dma_start3A_83 = arith.constant 0 : i32
      %dma_start3A_84 = tpu.memref_slice %arg4[%mul3A_4, %dma_start3A_83] : memref<5120x64xi32, #tpu.memory_space<hbm>> -> memref<160x64xi32, #tpu.memory_space<hbm>>
      %dma_start3A_85 = arith.constant 0 : i32
      %dma_start3A_86 = tpu.memref_slice %arg4[%mul3A_4, %dma_start3A_85] : memref<5120x64xi32, #tpu.memory_space<hbm>> -> memref<160x64xi32, #tpu.memory_space<hbm>>
      tpu.enqueue_dma source(%dma_start3A_86 : memref<160x64xi32, #tpu.memory_space<hbm>>) target(%arg11 : memref<160x64xi32, #tpu.memory_space<vmem>>) target_semaphore(%run_scoped3A : memref<!tpu.dma_semaphore, #tpu.memory_space<semaphore_mem>>)
      %dma_wait3A_87 = arith.constant 0 : i32
      %dma_wait3A_88 = tpu.memref_slice %arg4[%mul3A_4, %dma_wait3A_87] : memref<5120x64xi32, #tpu.memory_space<hbm>> -> memref<160x64xi32, #tpu.memory_space<hbm>>
      %dma_wait3A_89 = arith.constant 0 : i32
      %dma_wait3A_90 = tpu.memref_slice %arg4[%mul3A_4, %dma_wait3A_89] : memref<5120x64xi32, #tpu.memory_space<hbm>> -> memref<160x64xi32, #tpu.memory_space<hbm>>
      tpu.wait_dma2 semaphore(%run_scoped3A : memref<!tpu.dma_semaphore, #tpu.memory_space<semaphore_mem>>) src(%dma_wait3A_90 : memref<160x64xi32, #tpu.memory_space<hbm>>) dst(%arg11 : memref<160x64xi32, #tpu.memory_space<vmem>>)
      tpu.yield
    }) : () -> ()
    %barrier3A = arith.constant 0 : index
    tpu.barrier barrier_id(%barrier3A)
    %dma_start3A = arith.constant 0 : i32
    %dma_start3A_5 = arith.constant 0 : i32
    %dma_start3A_6 = tpu.memref_slice %arg10[%dma_start3A, %dma_start3A_5] : memref<160x64xi32, #tpu.memory_space<vmem>> -> memref<1x64xi32, #tpu.memory_space<vmem>>
    %dma_start3A_7 = tpu.memref_squeeze %dma_start3A_6 : memref<1x64xi32, #tpu.memory_space<vmem>> -> memref<64xi32, #tpu.memory_space<vmem>>
    %dma_start3A_8 = arith.constant 0 : i32
    %dma_start3A_9 = arith.constant 0 : i32
    %dma_start3A_10 = tpu.memref_slice %arg2[%dma_start3A_8, %dma_start3A_9] : memref<10000x128xf32, #tpu.memory_space<hbm>> -> memref<10000x128xf32, #tpu.memory_space<hbm>>
    tpu.enqueue_indirect_dma source(%dma_start3A_10 : memref<10000x128xf32, #tpu.memory_space<hbm>>) target(%arg12 : memref<64x128xf32, #tpu.memory_space<vmem>>) offsets(%dma_start3A_7 : memref<64xi32, #tpu.memory_space<vmem>>) semaphore(%arg17 : memref<!tpu.dma_semaphore, #tpu.memory_space<semaphore_mem>>)
    %dma_start3A_11 = arith.constant 1 : i32
    %dma_start3A_12 = arith.constant 0 : i32
    %dma_start3A_13 = tpu.memref_slice %arg10[%dma_start3A_11, %dma_start3A_12] : memref<160x64xi32, #tpu.memory_space<vmem>> -> memref<1x64xi32, #tpu.memory_space<vmem>>
    %dma_start3A_14 = tpu.memref_squeeze %dma_start3A_13 : memref<1x64xi32, #tpu.memory_space<vmem>> -> memref<64xi32, #tpu.memory_space<vmem>>
    %dma_start3A_15 = arith.constant 0 : i32
    %dma_start3A_16 = arith.constant 0 : i32
    %dma_start3A_17 = tpu.memref_slice %arg2[%dma_start3A_15, %dma_start3A_16] : memref<10000x128xf32, #tpu.memory_space<hbm>> -> memref<10000x128xf32, #tpu.memory_space<hbm>>
    tpu.enqueue_indirect_dma source(%dma_start3A_17 : memref<10000x128xf32, #tpu.memory_space<hbm>>) target(%arg13 : memref<64x128xf32, #tpu.memory_space<vmem>>) offsets(%dma_start3A_14 : memref<64xi32, #tpu.memory_space<vmem>>) semaphore(%arg18 : memref<!tpu.dma_semaphore, #tpu.memory_space<semaphore_mem>>)
    %scan3A = arith.constant 0 : i32
    %scan3A_18 = arith.constant 79 : i32
    %scan3A_19 = arith.addi %scan3A, %scan3A_18 : i32
    %scan3A_20 = arith.constant 1 : i32
    scf.for %scan3A_83 = %scan3A to %scan3A_19 step %scan3A_20  : i32 {
      %mul3A_84 = arith.constant 2 : i32
      %mul3A_85 = arith.muli %scan3A_83, %mul3A_84 : i32
      %add3A_86 = arith.constant 0 : i32
      %add3A_87 = arith.addi %add3A_86, %mul3A_85 : i32
      %add3A_88 = arith.constant 0 : i32
      %add3A_89 = arith.addi %add3A_87, %add3A_88 : i32
      %dma_wait3A_90 = arith.constant 0 : i32
      %dma_wait3A_91 = tpu.memref_slice %arg10[%add3A_89, %dma_wait3A_90] : memref<160x64xi32, #tpu.memory_space<vmem>> -> memref<1x64xi32, #tpu.memory_space<vmem>>
      %dma_wait3A_92 = tpu.memref_squeeze %dma_wait3A_91 : memref<1x64xi32, #tpu.memory_space<vmem>> -> memref<64xi32, #tpu.memory_space<vmem>>
      %dma_wait3A_93 = arith.constant 0 : i32
      %dma_wait3A_94 = arith.constant 0 : i32
      %dma_wait3A_95 = tpu.memref_slice %arg2[%dma_wait3A_93, %dma_wait3A_94] : memref<10000x128xf32, #tpu.memory_space<hbm>> -> memref<10000x128xf32, #tpu.memory_space<hbm>>
      tpu.wait_indirect_dma semaphore(%arg17 : memref<!tpu.dma_semaphore, #tpu.memory_space<semaphore_mem>>) src(%dma_wait3A_95 : memref<10000x128xf32, #tpu.memory_space<hbm>>) dst(%arg12 : memref<64x128xf32, #tpu.memory_space<vmem>>)
      %add3A_96 = arith.constant 0 : i32
      %add3A_97 = arith.addi %add3A_87, %add3A_96 : i32
      %dma_start3A_98 = arith.constant 0 : i32
      %dma_start3A_99 = tpu.memref_slice %arg11[%add3A_97, %dma_start3A_98] : memref<160x64xi32, #tpu.memory_space<vmem>> -> memref<1x64xi32, #tpu.memory_space<vmem>>
      %dma_start3A_100 = tpu.memref_squeeze %dma_start3A_99 : memref<1x64xi32, #tpu.memory_space<vmem>> -> memref<64xi32, #tpu.memory_space<vmem>>
      %dma_start3A_101 = arith.constant 0 : i32
      %dma_start3A_102 = arith.constant 0 : i32
      %dma_start3A_103 = tpu.memref_slice %arg14[%dma_start3A_101, %dma_start3A_102] : memref<10240x128xf32, #tpu.memory_space<vmem_shared>> -> memref<10240x128xf32, #tpu.memory_space<vmem_shared>>
      tpu.enqueue_indirect_dma source(%arg12 : memref<64x128xf32, #tpu.memory_space<vmem>>) target(%dma_start3A_103 : memref<10240x128xf32, #tpu.memory_space<vmem_shared>>) offsets(%dma_start3A_100 : memref<64xi32, #tpu.memory_space<vmem>>) semaphore(%arg19 : memref<!tpu.dma_semaphore, #tpu.memory_space<semaphore_mem>>) {add = true}
      %dma_start3A_104 = arith.constant 0 : i32
      %dma_start3A_105 = tpu.memref_slice %arg11[%add3A_97, %dma_start3A_104] : memref<160x64xi32, #tpu.memory_space<vmem>> -> memref<1x64xi32, #tpu.memory_space<vmem>>
      %dma_start3A_106 = tpu.memref_squeeze %dma_start3A_105 : memref<1x64xi32, #tpu.memory_space<vmem>> -> memref<64xi32, #tpu.memory_space<vmem>>
      %dma_start3A_107 = arith.constant 0 : i32
      %dma_start3A_108 = arith.constant 0 : i32
      %dma_start3A_109 = tpu.memref_slice %arg16[%dma_start3A_107, %dma_start3A_108] : memref<10240x16xf32, #tpu.memory_space<vmem_shared>> -> memref<10240x16xf32, #tpu.memory_space<vmem_shared>>
      tpu.enqueue_indirect_dma source(%arg15 : memref<64x16xf32, #tpu.memory_space<vmem>>) target(%dma_start3A_109 : memref<10240x16xf32, #tpu.memory_space<vmem_shared>>) offsets(%dma_start3A_106 : memref<64xi32, #tpu.memory_space<vmem>>) semaphore(%arg21 : memref<!tpu.dma_semaphore, #tpu.memory_space<semaphore_mem>>) {add = true}
      %add3A_110 = arith.constant 1 : i32
      %add3A_111 = arith.addi %add3A_87, %add3A_110 : i32
      %dma_wait3A_112 = arith.constant 0 : i32
      %dma_wait3A_113 = tpu.memref_slice %arg10[%add3A_111, %dma_wait3A_112] : memref<160x64xi32, #tpu.memory_space<vmem>> -> memref<1x64xi32, #tpu.memory_space<vmem>>
      %dma_wait3A_114 = tpu.memref_squeeze %dma_wait3A_113 : memref<1x64xi32, #tpu.memory_space<vmem>> -> memref<64xi32, #tpu.memory_space<vmem>>
      %dma_wait3A_115 = arith.constant 0 : i32
      %dma_wait3A_116 = arith.constant 0 : i32
      %dma_wait3A_117 = tpu.memref_slice %arg2[%dma_wait3A_115, %dma_wait3A_116] : memref<10000x128xf32, #tpu.memory_space<hbm>> -> memref<10000x128xf32, #tpu.memory_space<hbm>>
      tpu.wait_indirect_dma semaphore(%arg18 : memref<!tpu.dma_semaphore, #tpu.memory_space<semaphore_mem>>) src(%dma_wait3A_117 : memref<10000x128xf32, #tpu.memory_space<hbm>>) dst(%arg13 : memref<64x128xf32, #tpu.memory_space<vmem>>)
      %add3A_118 = arith.constant 1 : i32
      %add3A_119 = arith.addi %add3A_87, %add3A_118 : i32
      %dma_start3A_120 = arith.constant 0 : i32
      %dma_start3A_121 = tpu.memref_slice %arg11[%add3A_119, %dma_start3A_120] : memref<160x64xi32, #tpu.memory_space<vmem>> -> memref<1x64xi32, #tpu.memory_space<vmem>>
      %dma_start3A_122 = tpu.memref_squeeze %dma_start3A_121 : memref<1x64xi32, #tpu.memory_space<vmem>> -> memref<64xi32, #tpu.memory_space<vmem>>
      %dma_start3A_123 = arith.constant 0 : i32
      %dma_start3A_124 = arith.constant 0 : i32
      %dma_start3A_125 = tpu.memref_slice %arg14[%dma_start3A_123, %dma_start3A_124] : memref<10240x128xf32, #tpu.memory_space<vmem_shared>> -> memref<10240x128xf32, #tpu.memory_space<vmem_shared>>
      tpu.enqueue_indirect_dma source(%arg13 : memref<64x128xf32, #tpu.memory_space<vmem>>) target(%dma_start3A_125 : memref<10240x128xf32, #tpu.memory_space<vmem_shared>>) offsets(%dma_start3A_122 : memref<64xi32, #tpu.memory_space<vmem>>) semaphore(%arg20 : memref<!tpu.dma_semaphore, #tpu.memory_space<semaphore_mem>>) {add = true}
      %dma_start3A_126 = arith.constant 0 : i32
      %dma_start3A_127 = tpu.memref_slice %arg11[%add3A_119, %dma_start3A_126] : memref<160x64xi32, #tpu.memory_space<vmem>> -> memref<1x64xi32, #tpu.memory_space<vmem>>
      %dma_start3A_128 = tpu.memref_squeeze %dma_start3A_127 : memref<1x64xi32, #tpu.memory_space<vmem>> -> memref<64xi32, #tpu.memory_space<vmem>>
      %dma_start3A_129 = arith.constant 0 : i32
      %dma_start3A_130 = arith.constant 0 : i32
      %dma_start3A_131 = tpu.memref_slice %arg16[%dma_start3A_129, %dma_start3A_130] : memref<10240x16xf32, #tpu.memory_space<vmem_shared>> -> memref<10240x16xf32, #tpu.memory_space<vmem_shared>>
      tpu.enqueue_indirect_dma source(%arg15 : memref<64x16xf32, #tpu.memory_space<vmem>>) target(%dma_start3A_131 : memref<10240x16xf32, #tpu.memory_space<vmem_shared>>) offsets(%dma_start3A_128 : memref<64xi32, #tpu.memory_space<vmem>>) semaphore(%arg21 : memref<!tpu.dma_semaphore, #tpu.memory_space<semaphore_mem>>) {add = true}
      %add3A_132 = arith.constant 0 : i32
      %add3A_133 = arith.addi %add3A_87, %add3A_132 : i32
      %dma_wait3A_134 = arith.constant 0 : i32
      %dma_wait3A_135 = tpu.memref_slice %arg11[%add3A_133, %dma_wait3A_134] : memref<160x64xi32, #tpu.memory_space<vmem>> -> memref<1x64xi32, #tpu.memory_space<vmem>>
      %dma_wait3A_136 = tpu.memref_squeeze %dma_wait3A_135 : memref<1x64xi32, #tpu.memory_space<vmem>> -> memref<64xi32, #tpu.memory_space<vmem>>
      %dma_wait3A_137 = arith.constant 0 : i32
      %dma_wait3A_138 = arith.constant 0 : i32
      %dma_wait3A_139 = tpu.memref_slice %arg14[%dma_wait3A_137, %dma_wait3A_138] : memref<10240x128xf32, #tpu.memory_space<vmem_shared>> -> memref<10240x128xf32, #tpu.memory_space<vmem_shared>>
      tpu.wait_indirect_dma semaphore(%arg19 : memref<!tpu.dma_semaphore, #tpu.memory_space<semaphore_mem>>) src(%arg12 : memref<64x128xf32, #tpu.memory_space<vmem>>) dst(%dma_wait3A_139 : memref<10240x128xf32, #tpu.memory_space<vmem_shared>>)
      %add3A_140 = arith.constant 0 : i32
      %add3A_141 = arith.addi %add3A_87, %add3A_140 : i32
      %add3A_142 = arith.constant 2 : i32
      %add3A_143 = arith.addi %add3A_141, %add3A_142 : i32
      %dma_start3A_144 = arith.constant 0 : i32
      %dma_start3A_145 = tpu.memref_slice %arg10[%add3A_143, %dma_start3A_144] : memref<160x64xi32, #tpu.memory_space<vmem>> -> memref<1x64xi32, #tpu.memory_space<vmem>>
      %dma_start3A_146 = tpu.memref_squeeze %dma_start3A_145 : memref<1x64xi32, #tpu.memory_space<vmem>> -> memref<64xi32, #tpu.memory_space<vmem>>
      %dma_start3A_147 = arith.constant 0 : i32
      %dma_start3A_148 = arith.constant 0 : i32
      %dma_start3A_149 = tpu.memref_slice %arg2[%dma_start3A_147, %dma_start3A_148] : memref<10000x128xf32, #tpu.memory_space<hbm>> -> memref<10000x128xf32, #tpu.memory_space<hbm>>
      tpu.enqueue_indirect_dma source(%dma_start3A_149 : memref<10000x128xf32, #tpu.memory_space<hbm>>) target(%arg12 : memref<64x128xf32, #tpu.memory_space<vmem>>) offsets(%dma_start3A_146 : memref<64xi32, #tpu.memory_space<vmem>>) semaphore(%arg17 : memref<!tpu.dma_semaphore, #tpu.memory_space<semaphore_mem>>)
      %add3A_150 = arith.constant 1 : i32
      %add3A_151 = arith.addi %add3A_87, %add3A_150 : i32
      %dma_wait3A_152 = arith.constant 0 : i32
      %dma_wait3A_153 = tpu.memref_slice %arg11[%add3A_151, %dma_wait3A_152] : memref<160x64xi32, #tpu.memory_space<vmem>> -> memref<1x64xi32, #tpu.memory_space<vmem>>
      %dma_wait3A_154 = tpu.memref_squeeze %dma_wait3A_153 : memref<1x64xi32, #tpu.memory_space<vmem>> -> memref<64xi32, #tpu.memory_space<vmem>>
      %dma_wait3A_155 = arith.constant 0 : i32
      %dma_wait3A_156 = arith.constant 0 : i32
      %dma_wait3A_157 = tpu.memref_slice %arg14[%dma_wait3A_155, %dma_wait3A_156] : memref<10240x128xf32, #tpu.memory_space<vmem_shared>> -> memref<10240x128xf32, #tpu.memory_space<vmem_shared>>
      tpu.wait_indirect_dma semaphore(%arg20 : memref<!tpu.dma_semaphore, #tpu.memory_space<semaphore_mem>>) src(%arg13 : memref<64x128xf32, #tpu.memory_space<vmem>>) dst(%dma_wait3A_157 : memref<10240x128xf32, #tpu.memory_space<vmem_shared>>)
      %add3A_158 = arith.constant 1 : i32
      %add3A_159 = arith.addi %add3A_87, %add3A_158 : i32
      %add3A_160 = arith.constant 2 : i32
      %add3A_161 = arith.addi %add3A_159, %add3A_160 : i32
      %dma_start3A_162 = arith.constant 0 : i32
      %dma_start3A_163 = tpu.memref_slice %arg10[%add3A_161, %dma_start3A_162] : memref<160x64xi32, #tpu.memory_space<vmem>> -> memref<1x64xi32, #tpu.memory_space<vmem>>
      %dma_start3A_164 = tpu.memref_squeeze %dma_start3A_163 : memref<1x64xi32, #tpu.memory_space<vmem>> -> memref<64xi32, #tpu.memory_space<vmem>>
      %dma_start3A_165 = arith.constant 0 : i32
      %dma_start3A_166 = arith.constant 0 : i32
      %dma_start3A_167 = tpu.memref_slice %arg2[%dma_start3A_165, %dma_start3A_166] : memref<10000x128xf32, #tpu.memory_space<hbm>> -> memref<10000x128xf32, #tpu.memory_space<hbm>>
      tpu.enqueue_indirect_dma source(%dma_start3A_167 : memref<10000x128xf32, #tpu.memory_space<hbm>>) target(%arg13 : memref<64x128xf32, #tpu.memory_space<vmem>>) offsets(%dma_start3A_164 : memref<64xi32, #tpu.memory_space<vmem>>) semaphore(%arg18 : memref<!tpu.dma_semaphore, #tpu.memory_space<semaphore_mem>>)
    }
    %scan3A_21 = arith.constant 79 : i32
    %dma_wait3A = arith.constant 158 : i32
    %dma_wait3A_22 = arith.constant 0 : i32
    %dma_wait3A_23 = tpu.memref_slice %arg10[%dma_wait3A, %dma_wait3A_22] : memref<160x64xi32, #tpu.memory_space<vmem>> -> memref<1x64xi32, #tpu.memory_space<vmem>>
    %dma_wait3A_24 = tpu.memref_squeeze %dma_wait3A_23 : memref<1x64xi32, #tpu.memory_space<vmem>> -> memref<64xi32, #tpu.memory_space<vmem>>
    %dma_wait3A_25 = arith.constant 0 : i32
    %dma_wait3A_26 = arith.constant 0 : i32
    %dma_wait3A_27 = tpu.memref_slice %arg2[%dma_wait3A_25, %dma_wait3A_26] : memref<10000x128xf32, #tpu.memory_space<hbm>> -> memref<10000x128xf32, #tpu.memory_space<hbm>>
    tpu.wait_indirect_dma semaphore(%arg17 : memref<!tpu.dma_semaphore, #tpu.memory_space<semaphore_mem>>) src(%dma_wait3A_27 : memref<10000x128xf32, #tpu.memory_space<hbm>>) dst(%arg12 : memref<64x128xf32, #tpu.memory_space<vmem>>)
    %dma_start3A_28 = arith.constant 158 : i32
    %dma_start3A_29 = arith.constant 0 : i32
    %dma_start3A_30 = tpu.memref_slice %arg11[%dma_start3A_28, %dma_start3A_29] : memref<160x64xi32, #tpu.memory_space<vmem>> -> memref<1x64xi32, #tpu.memory_space<vmem>>
    %dma_start3A_31 = tpu.memref_squeeze %dma_start3A_30 : memref<1x64xi32, #tpu.memory_space<vmem>> -> memref<64xi32, #tpu.memory_space<vmem>>
    %dma_start3A_32 = arith.constant 0 : i32
    %dma_start3A_33 = arith.constant 0 : i32
    %dma_start3A_34 = tpu.memref_slice %arg14[%dma_start3A_32, %dma_start3A_33] : memref<10240x128xf32, #tpu.memory_space<vmem_shared>> -> memref<10240x128xf32, #tpu.memory_space<vmem_shared>>
    tpu.enqueue_indirect_dma source(%arg12 : memref<64x128xf32, #tpu.memory_space<vmem>>) target(%dma_start3A_34 : memref<10240x128xf32, #tpu.memory_space<vmem_shared>>) offsets(%dma_start3A_31 : memref<64xi32, #tpu.memory_space<vmem>>) semaphore(%arg19 : memref<!tpu.dma_semaphore, #tpu.memory_space<semaphore_mem>>) {add = true}
    %dma_start3A_35 = arith.constant 158 : i32
    %dma_start3A_36 = arith.constant 0 : i32
    %dma_start3A_37 = tpu.memref_slice %arg11[%dma_start3A_35, %dma_start3A_36] : memref<160x64xi32, #tpu.memory_space<vmem>> -> memref<1x64xi32, #tpu.memory_space<vmem>>
    %dma_start3A_38 = tpu.memref_squeeze %dma_start3A_37 : memref<1x64xi32, #tpu.memory_space<vmem>> -> memref<64xi32, #tpu.memory_space<vmem>>
    %dma_start3A_39 = arith.constant 0 : i32
    %dma_start3A_40 = arith.constant 0 : i32
    %dma_start3A_41 = tpu.memref_slice %arg16[%dma_start3A_39, %dma_start3A_40] : memref<10240x16xf32, #tpu.memory_space<vmem_shared>> -> memref<10240x16xf32, #tpu.memory_space<vmem_shared>>
    tpu.enqueue_indirect_dma source(%arg15 : memref<64x16xf32, #tpu.memory_space<vmem>>) target(%dma_start3A_41 : memref<10240x16xf32, #tpu.memory_space<vmem_shared>>) offsets(%dma_start3A_38 : memref<64xi32, #tpu.memory_space<vmem>>) semaphore(%arg21 : memref<!tpu.dma_semaphore, #tpu.memory_space<semaphore_mem>>) {add = true}
    %dma_wait3A_42 = arith.constant 159 : i32
    %dma_wait3A_43 = arith.constant 0 : i32
    %dma_wait3A_44 = tpu.memref_slice %arg10[%dma_wait3A_42, %dma_wait3A_43] : memref<160x64xi32, #tpu.memory_space<vmem>> -> memref<1x64xi32, #tpu.memory_space<vmem>>
    %dma_wait3A_45 = tpu.memref_squeeze %dma_wait3A_44 : memref<1x64xi32, #tpu.memory_space<vmem>> -> memref<64xi32, #tpu.memory_space<vmem>>
    %dma_wait3A_46 = arith.constant 0 : i32
    %dma_wait3A_47 = arith.constant 0 : i32
    %dma_wait3A_48 = tpu.memref_slice %arg2[%dma_wait3A_46, %dma_wait3A_47] : memref<10000x128xf32, #tpu.memory_space<hbm>> -> memref<10000x128xf32, #tpu.memory_space<hbm>>
    tpu.wait_indirect_dma semaphore(%arg18 : memref<!tpu.dma_semaphore, #tpu.memory_space<semaphore_mem>>) src(%dma_wait3A_48 : memref<10000x128xf32, #tpu.memory_space<hbm>>) dst(%arg13 : memref<64x128xf32, #tpu.memory_space<vmem>>)
    %dma_start3A_49 = arith.constant 159 : i32
    %dma_start3A_50 = arith.constant 0 : i32
    %dma_start3A_51 = tpu.memref_slice %arg11[%dma_start3A_49, %dma_start3A_50] : memref<160x64xi32, #tpu.memory_space<vmem>> -> memref<1x64xi32, #tpu.memory_space<vmem>>
    %dma_start3A_52 = tpu.memref_squeeze %dma_start3A_51 : memref<1x64xi32, #tpu.memory_space<vmem>> -> memref<64xi32, #tpu.memory_space<vmem>>
    %dma_start3A_53 = arith.constant 0 : i32
    %dma_start3A_54 = arith.constant 0 : i32
    %dma_start3A_55 = tpu.memref_slice %arg14[%dma_start3A_53, %dma_start3A_54] : memref<10240x128xf32, #tpu.memory_space<vmem_shared>> -> memref<10240x128xf32, #tpu.memory_space<vmem_shared>>
    tpu.enqueue_indirect_dma source(%arg13 : memref<64x128xf32, #tpu.memory_space<vmem>>) target(%dma_start3A_55 : memref<10240x128xf32, #tpu.memory_space<vmem_shared>>) offsets(%dma_start3A_52 : memref<64xi32, #tpu.memory_space<vmem>>) semaphore(%arg20 : memref<!tpu.dma_semaphore, #tpu.memory_space<semaphore_mem>>) {add = true}
    %dma_start3A_56 = arith.constant 159 : i32
    %dma_start3A_57 = arith.constant 0 : i32
    %dma_start3A_58 = tpu.memref_slice %arg11[%dma_start3A_56, %dma_start3A_57] : memref<160x64xi32, #tpu.memory_space<vmem>> -> memref<1x64xi32, #tpu.memory_space<vmem>>
    %dma_start3A_59 = tpu.memref_squeeze %dma_start3A_58 : memref<1x64xi32, #tpu.memory_space<vmem>> -> memref<64xi32, #tpu.memory_space<vmem>>
    %dma_start3A_60 = arith.constant 0 : i32
    %dma_start3A_61 = arith.constant 0 : i32
    %dma_start3A_62 = tpu.memref_slice %arg16[%dma_start3A_60, %dma_start3A_61] : memref<10240x16xf32, #tpu.memory_space<vmem_shared>> -> memref<10240x16xf32, #tpu.memory_space<vmem_shared>>
    tpu.enqueue_indirect_dma source(%arg15 : memref<64x16xf32, #tpu.memory_space<vmem>>) target(%dma_start3A_62 : memref<10240x16xf32, #tpu.memory_space<vmem_shared>>) offsets(%dma_start3A_59 : memref<64xi32, #tpu.memory_space<vmem>>) semaphore(%arg21 : memref<!tpu.dma_semaphore, #tpu.memory_space<semaphore_mem>>) {add = true}
    %dma_wait3A_63 = arith.constant 158 : i32
    %dma_wait3A_64 = arith.constant 0 : i32
    %dma_wait3A_65 = tpu.memref_slice %arg11[%dma_wait3A_63, %dma_wait3A_64] : memref<160x64xi32, #tpu.memory_space<vmem>> -> memref<1x64xi32, #tpu.memory_space<vmem>>
    %dma_wait3A_66 = tpu.memref_squeeze %dma_wait3A_65 : memref<1x64xi32, #tpu.memory_space<vmem>> -> memref<64xi32, #tpu.memory_space<vmem>>
    %dma_wait3A_67 = arith.constant 0 : i32
    %dma_wait3A_68 = arith.constant 0 : i32
    %dma_wait3A_69 = tpu.memref_slice %arg14[%dma_wait3A_67, %dma_wait3A_68] : memref<10240x128xf32, #tpu.memory_space<vmem_shared>> -> memref<10240x128xf32, #tpu.memory_space<vmem_shared>>
    tpu.wait_indirect_dma semaphore(%arg19 : memref<!tpu.dma_semaphore, #tpu.memory_space<semaphore_mem>>) src(%arg12 : memref<64x128xf32, #tpu.memory_space<vmem>>) dst(%dma_wait3A_69 : memref<10240x128xf32, #tpu.memory_space<vmem_shared>>)
    %dma_wait3A_70 = arith.constant 159 : i32
    %dma_wait3A_71 = arith.constant 0 : i32
    %dma_wait3A_72 = tpu.memref_slice %arg11[%dma_wait3A_70, %dma_wait3A_71] : memref<160x64xi32, #tpu.memory_space<vmem>> -> memref<1x64xi32, #tpu.memory_space<vmem>>
    %dma_wait3A_73 = tpu.memref_squeeze %dma_wait3A_72 : memref<1x64xi32, #tpu.memory_space<vmem>> -> memref<64xi32, #tpu.memory_space<vmem>>
    %dma_wait3A_74 = arith.constant 0 : i32
    %dma_wait3A_75 = arith.constant 0 : i32
    %dma_wait3A_76 = tpu.memref_slice %arg14[%dma_wait3A_74, %dma_wait3A_75] : memref<10240x128xf32, #tpu.memory_space<vmem_shared>> -> memref<10240x128xf32, #tpu.memory_space<vmem_shared>>
    tpu.wait_indirect_dma semaphore(%arg20 : memref<!tpu.dma_semaphore, #tpu.memory_space<semaphore_mem>>) src(%arg13 : memref<64x128xf32, #tpu.memory_space<vmem>>) dst(%dma_wait3A_76 : memref<10240x128xf32, #tpu.memory_space<vmem_shared>>)
    %scan3A_77 = arith.constant 0 : i32
    %scan3A_78 = arith.constant 160 : i32
    %scan3A_79 = arith.addi %scan3A_77, %scan3A_78 : i32
    %scan3A_80 = arith.constant 1 : i32
    scf.for %scan3A_83 = %scan3A_77 to %scan3A_79 step %scan3A_80  : i32 {
      %mul3A_84 = arith.constant 1 : i32
      %mul3A_85 = arith.muli %scan3A_83, %mul3A_84 : i32
      %add3A_86 = arith.constant 0 : i32
      %add3A_87 = arith.addi %add3A_86, %mul3A_85 : i32
      %dma_wait3A_88 = arith.constant 0 : i32
      %dma_wait3A_89 = arith.constant 0 : i32
      %dma_wait3A_90 = tpu.memref_slice %arg11[%dma_wait3A_88, %dma_wait3A_89] : memref<160x64xi32, #tpu.memory_space<vmem>> -> memref<1x64xi32, #tpu.memory_space<vmem>>
      %dma_wait3A_91 = tpu.memref_squeeze %dma_wait3A_90 : memref<1x64xi32, #tpu.memory_space<vmem>> -> memref<64xi32, #tpu.memory_space<vmem>>
      %dma_wait3A_92 = arith.constant 0 : i32
      %dma_wait3A_93 = arith.constant 0 : i32
      %dma_wait3A_94 = tpu.memref_slice %arg16[%dma_wait3A_92, %dma_wait3A_93] : memref<10240x16xf32, #tpu.memory_space<vmem_shared>> -> memref<10240x16xf32, #tpu.memory_space<vmem_shared>>
      tpu.wait_indirect_dma semaphore(%arg21 : memref<!tpu.dma_semaphore, #tpu.memory_space<semaphore_mem>>) src(%arg15 : memref<64x16xf32, #tpu.memory_space<vmem>>) dst(%dma_wait3A_94 : memref<10240x16xf32, #tpu.memory_space<vmem_shared>>)
    }
    %scan3A_81 = arith.constant 160 : i32
    %barrier3A_82 = arith.constant 0 : index
    tpu.barrier barrier_id(%barrier3A_82)
    "tpu.region"() ({
      %run_scoped3A = tpu.sem_alloc : memref<!tpu.dma_semaphore, #tpu.memory_space<semaphore_mem>>
      %dma_start3A_83 = arith.constant 0 : i32
      %dma_start3A_84 = tpu.memref_slice %arg8[%arg0, %mul3A_2, %dma_start3A_83] : memref<2x10240x128xf32, #tpu.memory_space<hbm>> -> memref<1x640x128xf32, #tpu.memory_space<hbm>>
      %dma_start3A_85 = tpu.memref_squeeze %dma_start3A_84 : memref<1x640x128xf32, #tpu.memory_space<hbm>> -> memref<640x128xf32, #tpu.memory_space<hbm>>
      %dma_start3A_86 = arith.constant 0 : i32
      %dma_start3A_87 = tpu.memref_slice %arg14[%mul3A_2, %dma_start3A_86] : memref<10240x128xf32, #tpu.memory_space<vmem_shared>> -> memref<640x128xf32, #tpu.memory_space<vmem_shared>>
      tpu.enqueue_dma source(%dma_start3A_87 : memref<640x128xf32, #tpu.memory_space<vmem_shared>>) target(%dma_start3A_85 : memref<640x128xf32, #tpu.memory_space<hbm>>) target_semaphore(%run_scoped3A : memref<!tpu.dma_semaphore, #tpu.memory_space<semaphore_mem>>)
      %dma_wait3A_88 = arith.constant 0 : i32
      %dma_wait3A_89 = tpu.memref_slice %arg8[%arg0, %mul3A_2, %dma_wait3A_88] : memref<2x10240x128xf32, #tpu.memory_space<hbm>> -> memref<1x640x128xf32, #tpu.memory_space<hbm>>
      %dma_wait3A_90 = tpu.memref_squeeze %dma_wait3A_89 : memref<1x640x128xf32, #tpu.memory_space<hbm>> -> memref<640x128xf32, #tpu.memory_space<hbm>>
      %dma_wait3A_91 = arith.constant 0 : i32
      %dma_wait3A_92 = tpu.memref_slice %arg14[%mul3A_2, %dma_wait3A_91] : memref<10240x128xf32, #tpu.memory_space<vmem_shared>> -> memref<640x128xf32, #tpu.memory_space<vmem_shared>>
      tpu.wait_dma2 semaphore(%run_scoped3A : memref<!tpu.dma_semaphore, #tpu.memory_space<semaphore_mem>>) src(%dma_wait3A_92 : memref<640x128xf32, #tpu.memory_space<vmem_shared>>) dst(%dma_wait3A_90 : memref<640x128xf32, #tpu.memory_space<hbm>>)
      tpu.yield
    }) : () -> ()
    "tpu.region"() ({
      %run_scoped3A = tpu.sem_alloc : memref<!tpu.dma_semaphore, #tpu.memory_space<semaphore_mem>>
      %dma_start3A_83 = arith.constant 0 : i32
      %dma_start3A_84 = tpu.memref_slice %arg9[%arg0, %mul3A_2, %dma_start3A_83] : memref<2x10240x16xf32, #tpu.memory_space<hbm>> -> memref<1x640x16xf32, #tpu.memory_space<hbm>>
      %dma_start3A_85 = tpu.memref_squeeze %dma_start3A_84 : memref<1x640x16xf32, #tpu.memory_space<hbm>> -> memref<640x16xf32, #tpu.memory_space<hbm>>
      %dma_start3A_86 = arith.constant 0 : i32
      %dma_start3A_87 = tpu.memref_slice %arg16[%mul3A_2, %dma_start3A_86] : memref<10240x16xf32, #tpu.memory_space<vmem_shared>> -> memref<640x16xf32, #tpu.memory_space<vmem_shared>>
      tpu.enqueue_dma source(%dma_start3A_87 : memref<640x16xf32, #tpu.memory_space<vmem_shared>>) target(%dma_start3A_85 : memref<640x16xf32, #tpu.memory_space<hbm>>) target_semaphore(%run_scoped3A : memref<!tpu.dma_semaphore, #tpu.memory_space<semaphore_mem>>)
      %dma_wait3A_88 = arith.constant 0 : i32
      %dma_wait3A_89 = tpu.memref_slice %arg9[%arg0, %mul3A_2, %dma_wait3A_88] : memref<2x10240x16xf32, #tpu.memory_space<hbm>> -> memref<1x640x16xf32, #tpu.memory_space<hbm>>
      %dma_wait3A_90 = tpu.memref_squeeze %dma_wait3A_89 : memref<1x640x16xf32, #tpu.memory_space<hbm>> -> memref<640x16xf32, #tpu.memory_space<hbm>>
      %dma_wait3A_91 = arith.constant 0 : i32
      %dma_wait3A_92 = tpu.memref_slice %arg16[%mul3A_2, %dma_wait3A_91] : memref<10240x16xf32, #tpu.memory_space<vmem_shared>> -> memref<640x16xf32, #tpu.memory_space<vmem_shared>>
      tpu.wait_dma2 semaphore(%run_scoped3A : memref<!tpu.dma_semaphore, #tpu.memory_space<semaphore_mem>>) src(%dma_wait3A_92 : memref<640x16xf32, #tpu.memory_space<vmem_shared>>) dst(%dma_wait3A_90 : memref<640x16xf32, #tpu.memory_space<hbm>>)
      tpu.yield
    }) : () -> ()
    return
  }
}

module attributes {stable_mosaic.version = 14 : i64} {
  func.func @body(%arg0: i32, %arg1: memref<1024x128xf32, #tpu.memory_space<vmem>>, %arg2: memref<1024x128xf32, #tpu.memory_space<vmem>>, %arg3: memref<1024x128xf32, #tpu.memory_space<vmem>>, %arg4: memref<1024x16xf32, #tpu.memory_space<vmem>>, %arg5: memref<1024x16xf32, #tpu.memory_space<vmem>>, %arg6: memref<128x128xf32, #tpu.memory_space<vmem>>, %arg7: memref<1x128xf32, #tpu.memory_space<vmem>>, %arg8: memref<128x128xf32, #tpu.memory_space<vmem>>, %arg9: memref<128x16xf32, #tpu.memory_space<vmem>>, %arg10: memref<1024x128xf32, #tpu.memory_space<vmem>>, %arg11: memref<1024x16xf32, #tpu.memory_space<vmem>>, %arg12: memref<1024x1xf32, #tpu.memory_space<vmem>>) attributes {dimension_semantics = [#tpu.dimension_semantics<arbitrary>], iteration_bounds = array<i64: 10>, scalar_prefetch = 0 : i64, scratch_operands = 0 : i64, tpu.core_type = #tpu.core_type<tc>, window_params = [{transform_indices = @transform_0, window_bounds = array<i64: 1024, 128>}, {transform_indices = @transform_1, window_bounds = array<i64: 1024, 128>}, {transform_indices = @transform_2, window_bounds = array<i64: 1024, 128>}, {transform_indices = @transform_3, window_bounds = array<i64: 1024, 16>}, {transform_indices = @transform_4, window_bounds = array<i64: 1024, 16>}, {pipeline_mode = #tpu.pipeline_mode<synchronous>, transform_indices = @transform_5, window_bounds = array<i64: 128, 128>}, {pipeline_mode = #tpu.pipeline_mode<synchronous>, transform_indices = @transform_6, window_bounds = array<i64: 1, 128>}, {pipeline_mode = #tpu.pipeline_mode<synchronous>, transform_indices = @transform_7, window_bounds = array<i64: 128, 128>}, {pipeline_mode = #tpu.pipeline_mode<synchronous>, transform_indices = @transform_8, window_bounds = array<i64: 128, 16>}, {transform_indices = @transform_9, window_bounds = array<i64: 1024, 128>}, {transform_indices = @transform_10, window_bounds = array<i64: 1024, 16>}, {transform_indices = @transform_11, window_bounds = array<i64: 1024, 1>}]} {
    %get3A = arith.constant 0 : index
    %get3A_0 = arith.constant 0 : index
    %get3A_1 = vector.load %arg4[%get3A, %get3A_0] : memref<1024x16xf32, #tpu.memory_space<vmem>>, vector<1024x1xf32>
    %get3A_2 = arith.constant 0 : index
    %get3A_3 = arith.constant 0 : index
    %get3A_4 = vector.load %arg5[%get3A_2, %get3A_3] : memref<1024x16xf32, #tpu.memory_space<vmem>>, vector<1024x1xf32>
    %add3A = arith.addf %get3A_1, %get3A_4 : vector<1024x1xf32>
    %max3A = arith.constant 1.000000e+00 : f32
    %max3A_5 = vector.broadcast %max3A : f32 to vector<1024x1xf32>
    %max3A_6 = arith.maximumf %add3A, %max3A_5 : vector<1024x1xf32>
    %div3A = arith.constant 1.000000e+00 : f32
    %div3A_7 = vector.broadcast %div3A : f32 to vector<1024x1xf32>
    %div3A_8 = arith.divf %div3A_7, %max3A_6 : vector<1024x1xf32>
    %swap3A = arith.constant 0 : index
    %swap3A_9 = arith.constant 0 : index
    %swap3A_10 = vector.load %arg12[%swap3A, %swap3A_9] : memref<1024x1xf32, #tpu.memory_space<vmem>>, vector<1024x1xf32>
    tpu.vector_store %arg12[%swap3A, %swap3A_9], %div3A_8 {strides = array<i32>} : memref<1024x1xf32, #tpu.memory_space<vmem>>, vector<1024x1xf32>,
    %get3A_11 = arith.constant 0 : index
    %get3A_12 = arith.constant 0 : index
    %get3A_13 = vector.load %arg2[%get3A_11, %get3A_12] : memref<1024x128xf32, #tpu.memory_space<vmem>>, vector<1024x128xf32>
    %get3A_14 = arith.constant 0 : index
    %get3A_15 = arith.constant 0 : index
    %get3A_16 = vector.load %arg3[%get3A_14, %get3A_15] : memref<1024x128xf32, #tpu.memory_space<vmem>>, vector<1024x128xf32>
    %add3A_17 = arith.addf %get3A_13, %get3A_16 : vector<1024x128xf32>
    %mul3A = vector.broadcast %div3A_8 : vector<1024x1xf32> to vector<1024x128xf32>
    %mul3A_18 = arith.mulf %add3A_17, %mul3A : vector<1024x128xf32>
    %get3A_19 = arith.constant 0 : index
    %get3A_20 = arith.constant 0 : index
    %get3A_21 = vector.load %arg6[%get3A_19, %get3A_20] : memref<128x128xf32, #tpu.memory_space<vmem>>, vector<128x128xf32>
    %dot_general3A = arith.constant dense<0.000000e+00> : vector<1024x128xf32>
    %dot_general3A_22 = tpu.matmul %mul3A_18, %get3A_21, %dot_general3A {dimension_numbers = #tpu.dot_dimension_numbers<[1], [0], [0], [1], [0, 0, 1, 1], [], []>, transpose_lhs_hint = false} : vector<1024x128xf32>, vector<128x128xf32>, vector<1024x128xf32> -> vector<1024x128xf32>
    %get3A_23 = arith.constant 0 : index
    %get3A_24 = arith.constant 0 : index
    %get3A_25 = vector.load %arg7[%get3A_23, %get3A_24] : memref<1x128xf32, #tpu.memory_space<vmem>>, vector<1x128xf32>
    %add3A_26 = vector.broadcast %get3A_25 : vector<1x128xf32> to vector<1024x128xf32>
    %add3A_27 = arith.addf %dot_general3A_22, %add3A_26 : vector<1024x128xf32>
    %get3A_28 = arith.constant 0 : index
    %get3A_29 = arith.constant 0 : index
    %get3A_30 = vector.load %arg1[%get3A_28, %get3A_29] : memref<1024x128xf32, #tpu.memory_space<vmem>>, vector<1024x128xf32>
    %get3A_31 = arith.constant 0 : index
    %get3A_32 = arith.constant 0 : index
    %get3A_33 = vector.load %arg8[%get3A_31, %get3A_32] : memref<128x128xf32, #tpu.memory_space<vmem>>, vector<128x128xf32>
    %dot_general3A_34 = arith.constant dense<0.000000e+00> : vector<1024x128xf32>
    %dot_general3A_35 = tpu.matmul %get3A_30, %get3A_33, %dot_general3A_34 {dimension_numbers = #tpu.dot_dimension_numbers<[1], [0], [0], [1], [0, 0, 1, 1], [], []>, transpose_lhs_hint = false} : vector<1024x128xf32>, vector<128x128xf32>, vector<1024x128xf32> -> vector<1024x128xf32>
    %add3A_36 = arith.addf %add3A_27, %dot_general3A_35 : vector<1024x128xf32>
    %max3A_37 = arith.constant 0.000000e+00 : f32
    %max3A_38 = vector.broadcast %max3A_37 : f32 to vector<1024x128xf32>
    %max3A_39 = arith.maximumf %add3A_36, %max3A_38 : vector<1024x128xf32>
    %swap3A_40 = arith.constant 0 : index
    %swap3A_41 = arith.constant 0 : index
    %swap3A_42 = vector.load %arg10[%swap3A_40, %swap3A_41] : memref<1024x128xf32, #tpu.memory_space<vmem>>, vector<1024x128xf32>
    tpu.vector_store %arg10[%swap3A_40, %swap3A_41], %max3A_39 {strides = array<i32>} : memref<1024x128xf32, #tpu.memory_space<vmem>>, vector<1024x128xf32>,
    %get3A_43 = arith.constant 0 : index
    %get3A_44 = arith.constant 0 : index
    %get3A_45 = vector.load %arg9[%get3A_43, %get3A_44] : memref<128x16xf32, #tpu.memory_space<vmem>>, vector<128x16xf32>
    %dot_general3A_46 = arith.constant dense<0.000000e+00> : vector<1024x16xf32>
    %dot_general3A_47 = tpu.matmul %max3A_39, %get3A_45, %dot_general3A_46 {dimension_numbers = #tpu.dot_dimension_numbers<[1], [0], [0], [1], [0, 0, 1, 1], [], []>, transpose_lhs_hint = false} : vector<1024x128xf32>, vector<128x16xf32>, vector<1024x16xf32> -> vector<1024x16xf32>
    %swap3A_48 = arith.constant 0 : index
    %swap3A_49 = arith.constant 0 : index
    %swap3A_50 = vector.load %arg11[%swap3A_48, %swap3A_49] : memref<1024x16xf32, #tpu.memory_space<vmem>>, vector<1024x16xf32>
    tpu.vector_store %arg11[%swap3A_48, %swap3A_49], %dot_general3A_47 {strides = array<i32>} : memref<1024x16xf32, #tpu.memory_space<vmem>>, vector<1024x16xf32>,
    return
  }
  func.func @transform_0(%arg0: i32) -> (i32, i32) {
    %c0_i32 = arith.constant 0 : i32
    %c0_i32_0 = arith.constant 0 : i32
    return %arg0, %c0_i32 : i32, i32
  }
  func.func @transform_1(%arg0: i32) -> (i32, i32) {
    %c0_i32 = arith.constant 0 : i32
    %c0_i32_0 = arith.constant 0 : i32
    return %arg0, %c0_i32 : i32, i32
  }
  func.func @transform_2(%arg0: i32) -> (i32, i32) {
    %c0_i32 = arith.constant 0 : i32
    %c0_i32_0 = arith.constant 0 : i32
    return %arg0, %c0_i32 : i32, i32
  }
  func.func @transform_3(%arg0: i32) -> (i32, i32) {
    %c0_i32 = arith.constant 0 : i32
    %c0_i32_0 = arith.constant 0 : i32
    return %arg0, %c0_i32 : i32, i32
  }
  func.func @transform_4(%arg0: i32) -> (i32, i32) {
    %c0_i32 = arith.constant 0 : i32
    %c0_i32_0 = arith.constant 0 : i32
    return %arg0, %c0_i32 : i32, i32
  }
  func.func @transform_5(%arg0: i32) -> (i32, i32) {
    %c0_i32 = arith.constant 0 : i32
    %c0_i32_0 = arith.constant 0 : i32
    %c0_i32_1 = arith.constant 0 : i32
    return %c0_i32, %c0_i32_0 : i32, i32
  }
  func.func @transform_6(%arg0: i32) -> (i32, i32) {
    %c0_i32 = arith.constant 0 : i32
    %c0_i32_0 = arith.constant 0 : i32
    %c0_i32_1 = arith.constant 0 : i32
    return %c0_i32, %c0_i32_0 : i32, i32
  }
  func.func @transform_7(%arg0: i32) -> (i32, i32) {
    %c0_i32 = arith.constant 0 : i32
    %c0_i32_0 = arith.constant 0 : i32
    %c0_i32_1 = arith.constant 0 : i32
    return %c0_i32, %c0_i32_0 : i32, i32
  }
  func.func @transform_8(%arg0: i32) -> (i32, i32) {
    %c0_i32 = arith.constant 0 : i32
    %c0_i32_0 = arith.constant 0 : i32
    %c0_i32_1 = arith.constant 0 : i32
    return %c0_i32, %c0_i32_0 : i32, i32
  }
  func.func @transform_9(%arg0: i32) -> (i32, i32) {
    %c0_i32 = arith.constant 0 : i32
    %c0_i32_0 = arith.constant 0 : i32
    return %arg0, %c0_i32 : i32, i32
  }
  func.func @transform_10(%arg0: i32) -> (i32, i32) {
    %c0_i32 = arith.constant 0 : i32
    %c0_i32_0 = arith.constant 0 : i32
    return %arg0, %c0_i32 : i32, i32
  }
  func.func @transform_11(%arg0: i32) -> (i32, i32) {
    %c0_i32 = arith.constant 0 : i32
    %c0_i32_0 = arith.constant 0 : i32
    return %arg0, %c0_i32 : i32, i32
  }
}

module attributes {stable_mosaic.version = 14 : i64} {
  func.func @body(%arg0: i32, %arg1: memref<1024x128xf32, #tpu.memory_space<vmem>>, %arg2: memref<1024x16xf32, #tpu.memory_space<vmem>>, %arg3: memref<1024x16xf32, #tpu.memory_space<vmem>>, %arg4: memref<1024x1xf32, #tpu.memory_space<vmem>>, %arg5: memref<128x16xf32, #tpu.memory_space<vmem>>, %arg6: memref<1x16xf32, #tpu.memory_space<vmem>>, %arg7: memref<1024x1xi32, #tpu.memory_space<vmem>>, %arg8: memref<64x16xf32, #tpu.memory_space<vmem>>, %arg9: memref<64x16xf32, #tpu.memory_space<vmem>>, %arg10: memref<64x16xf32, #tpu.memory_space<vmem>>) attributes {dimension_semantics = [#tpu.dimension_semantics<arbitrary>], iteration_bounds = array<i64: 10>, scalar_prefetch = 0 : i64, scratch_operands = 2 : i64, tpu.core_type = #tpu.core_type<tc>, window_params = [{transform_indices = @transform_0, window_bounds = array<i64: 1024, 128>}, {transform_indices = @transform_1, window_bounds = array<i64: 1024, 16>}, {transform_indices = @transform_2, window_bounds = array<i64: 1024, 16>}, {transform_indices = @transform_3, window_bounds = array<i64: 1024, 1>}, {pipeline_mode = #tpu.pipeline_mode<synchronous>, transform_indices = @transform_4, window_bounds = array<i64: 128, 16>}, {pipeline_mode = #tpu.pipeline_mode<synchronous>, transform_indices = @transform_5, window_bounds = array<i64: 1, 16>}, {transform_indices = @transform_6, window_bounds = array<i64: 1024, 1>}, {pipeline_mode = #tpu.pipeline_mode<synchronous>, transform_indices = @transform_7, window_bounds = array<i64: 64, 16>}]} {
    %eq3A = arith.constant 0 : i32
    %eq3A_0 = arith.cmpi eq, %arg0, %eq3A : i32
    %convert_element_type3A = arith.extui %eq3A_0 : i1 to i32
    %cond3A = arith.constant 0 : i32
    %cond3A_1 = arith.cmpi ne, %convert_element_type3A, %cond3A : i32
    scf.if %cond3A_1 {
      %broadcast_in_dim3A_55 = arith.constant 0.000000e+00 : f32
      %broadcast_in_dim3A_56 = vector.broadcast %broadcast_in_dim3A_55 : f32 to vector<64x16xf32>
      %swap3A_57 = arith.constant 0 : index
      %swap3A_58 = arith.constant 0 : index
      %swap3A_59 = vector.load %arg9[%swap3A_57, %swap3A_58] : memref<64x16xf32, #tpu.memory_space<vmem>>, vector<64x16xf32>
      tpu.vector_store %arg9[%swap3A_57, %swap3A_58], %broadcast_in_dim3A_56 {strides = array<i32>} : memref<64x16xf32, #tpu.memory_space<vmem>>, vector<64x16xf32>,
      %broadcast_in_dim3A_60 = arith.constant 0.000000e+00 : f32
      %broadcast_in_dim3A_61 = vector.broadcast %broadcast_in_dim3A_60 : f32 to vector<64x16xf32>
      %swap3A_62 = arith.constant 0 : index
      %swap3A_63 = arith.constant 0 : index
      %swap3A_64 = vector.load %arg10[%swap3A_62, %swap3A_63] : memref<64x16xf32, #tpu.memory_space<vmem>>, vector<64x16xf32>
      tpu.vector_store %arg10[%swap3A_62, %swap3A_63], %broadcast_in_dim3A_61 {strides = array<i32>} : memref<64x16xf32, #tpu.memory_space<vmem>>, vector<64x16xf32>,
    } else {
    }
    %get3A = arith.constant 0 : index
    %get3A_2 = arith.constant 0 : index
    %get3A_3 = vector.load %arg2[%get3A, %get3A_2] : memref<1024x16xf32, #tpu.memory_space<vmem>>, vector<1024x16xf32>
    %get3A_4 = arith.constant 0 : index
    %get3A_5 = arith.constant 0 : index
    %get3A_6 = vector.load %arg3[%get3A_4, %get3A_5] : memref<1024x16xf32, #tpu.memory_space<vmem>>, vector<1024x16xf32>
    %add3A = arith.addf %get3A_3, %get3A_6 : vector<1024x16xf32>
    %get3A_7 = arith.constant 0 : index
    %get3A_8 = arith.constant 0 : index
    %get3A_9 = vector.load %arg4[%get3A_7, %get3A_8] : memref<1024x1xf32, #tpu.memory_space<vmem>>, vector<1024x1xf32>
    %mul3A = vector.broadcast %get3A_9 : vector<1024x1xf32> to vector<1024x16xf32>
    %mul3A_10 = arith.mulf %add3A, %mul3A : vector<1024x16xf32>
    %get3A_11 = arith.constant 0 : index
    %get3A_12 = arith.constant 0 : index
    %get3A_13 = vector.load %arg6[%get3A_11, %get3A_12] : memref<1x16xf32, #tpu.memory_space<vmem>>, vector<1x16xf32>
    %add3A_14 = vector.broadcast %get3A_13 : vector<1x16xf32> to vector<1024x16xf32>
    %add3A_15 = arith.addf %mul3A_10, %add3A_14 : vector<1024x16xf32>
    %get3A_16 = arith.constant 0 : index
    %get3A_17 = arith.constant 0 : index
    %get3A_18 = vector.load %arg1[%get3A_16, %get3A_17] : memref<1024x128xf32, #tpu.memory_space<vmem>>, vector<1024x128xf32>
    %get3A_19 = arith.constant 0 : index
    %get3A_20 = arith.constant 0 : index
    %get3A_21 = vector.load %arg5[%get3A_19, %get3A_20] : memref<128x16xf32, #tpu.memory_space<vmem>>, vector<128x16xf32>
    %dot_general3A = arith.constant dense<0.000000e+00> : vector<1024x16xf32>
    %dot_general3A_22 = tpu.matmul %get3A_18, %get3A_21, %dot_general3A {dimension_numbers = #tpu.dot_dimension_numbers<[1], [0], [0], [1], [0, 0, 1, 1], [], []>, transpose_lhs_hint = false} : vector<1024x128xf32>, vector<128x16xf32>, vector<1024x16xf32> -> vector<1024x16xf32>
    %add3A_23 = arith.addf %add3A_15, %dot_general3A_22 : vector<1024x16xf32>
    %get3A_24 = arith.constant 0 : index
    %get3A_25 = arith.constant 0 : index
    %get3A_26 = vector.load %arg7[%get3A_24, %get3A_25] : memref<1024x1xi32, #tpu.memory_space<vmem>>, vector<1024x1xi32>
    %iota3A = tpu.iota {dimensions = array<i32: 1>} : vector<1x64xi32>
    %eq3A_27 = vector.broadcast %get3A_26 : vector<1024x1xi32> to vector<1024x64xi32>
    %eq3A_28 = vector.broadcast %iota3A : vector<1x64xi32> to vector<1024x64xi32>
    %eq3A_29 = arith.cmpi eq, %eq3A_27, %eq3A_28 : vector<1024x64xi32>
    %convert_element_type3A_30 = arith.extui %eq3A_29 : vector<1024x64xi1> to vector<1024x64xi32>
    %convert_element_type3A_31 = arith.sitofp %convert_element_type3A_30 : vector<1024x64xi32> to vector<1024x64xf32>
    %get3A_32 = arith.constant 0 : index
    %get3A_33 = arith.constant 0 : index
    %get3A_34 = vector.load %arg9[%get3A_32, %get3A_33] : memref<64x16xf32, #tpu.memory_space<vmem>>, vector<64x16xf32>
    %dot_general3A_35 = arith.constant dense<0.000000e+00> : vector<64x16xf32>
    %dot_general3A_36 = tpu.matmul %convert_element_type3A_31, %add3A_23, %dot_general3A_35 {dimension_numbers = #tpu.dot_dimension_numbers<[0], [0], [1], [1], [0, 1, 1, 1], [], []>, transpose_lhs_hint = false} : vector<1024x64xf32>, vector<1024x16xf32>, vector<64x16xf32> -> vector<64x16xf32>
    %add3A_37 = arith.addf %get3A_34, %dot_general3A_36 : vector<64x16xf32>
    %swap3A = arith.constant 0 : index
    %swap3A_38 = arith.constant 0 : index
    %swap3A_39 = vector.load %arg9[%swap3A, %swap3A_38] : memref<64x16xf32, #tpu.memory_space<vmem>>, vector<64x16xf32>
    tpu.vector_store %arg9[%swap3A, %swap3A_38], %add3A_37 {strides = array<i32>} : memref<64x16xf32, #tpu.memory_space<vmem>>, vector<64x16xf32>,
    %get3A_40 = arith.constant 0 : index
    %get3A_41 = arith.constant 0 : index
    %get3A_42 = vector.load %arg10[%get3A_40, %get3A_41] : memref<64x16xf32, #tpu.memory_space<vmem>>, vector<64x16xf32>
    %broadcast_in_dim3A = arith.constant 1.000000e+00 : f32
    %broadcast_in_dim3A_43 = vector.broadcast %broadcast_in_dim3A : f32 to vector<1024x16xf32>
    %dot_general3A_44 = arith.constant dense<0.000000e+00> : vector<64x16xf32>
    %dot_general3A_45 = tpu.matmul %convert_element_type3A_31, %broadcast_in_dim3A_43, %dot_general3A_44 {dimension_numbers = #tpu.dot_dimension_numbers<[0], [0], [1], [1], [0, 1, 1, 1], [], []>, transpose_lhs_hint = false} : vector<1024x64xf32>, vector<1024x16xf32>, vector<64x16xf32> -> vector<64x16xf32>
    %add3A_46 = arith.addf %get3A_42, %dot_general3A_45 : vector<64x16xf32>
    %swap3A_47 = arith.constant 0 : index
    %swap3A_48 = arith.constant 0 : index
    %swap3A_49 = vector.load %arg10[%swap3A_47, %swap3A_48] : memref<64x16xf32, #tpu.memory_space<vmem>>, vector<64x16xf32>
    tpu.vector_store %arg10[%swap3A_47, %swap3A_48], %add3A_46 {strides = array<i32>} : memref<64x16xf32, #tpu.memory_space<vmem>>, vector<64x16xf32>,
    %eq3A_50 = arith.constant 9 : i32
    %eq3A_51 = arith.cmpi eq, %arg0, %eq3A_50 : i32
    %convert_element_type3A_52 = arith.extui %eq3A_51 : i1 to i32
    %cond3A_53 = arith.constant 0 : i32
    %cond3A_54 = arith.cmpi ne, %convert_element_type3A_52, %cond3A_53 : i32
    scf.if %cond3A_54 {
      %get3A_55 = arith.constant 0 : index
      %get3A_56 = arith.constant 0 : index
      %get3A_57 = vector.load %arg9[%get3A_55, %get3A_56] : memref<64x16xf32, #tpu.memory_space<vmem>>, vector<64x16xf32>
      %get3A_58 = arith.constant 0 : index
      %get3A_59 = arith.constant 0 : index
      %get3A_60 = vector.load %arg10[%get3A_58, %get3A_59] : memref<64x16xf32, #tpu.memory_space<vmem>>, vector<64x16xf32>
      %max3A = arith.constant 1.000000e+00 : f32
      %max3A_61 = vector.broadcast %max3A : f32 to vector<64x16xf32>
      %max3A_62 = arith.maximumf %get3A_60, %max3A_61 : vector<64x16xf32>
      %div3A = arith.divf %get3A_57, %max3A_62 : vector<64x16xf32>
      %reduce_max3A = arith.constant dense<0xFF800000> : vector<64xf32>
      %reduce_max3A_63 = vector.multi_reduction <maximumf>, %div3A, %reduce_max3A [1] : vector<64x16xf32> to vector<64xf32>
      %broadcast_in_dim3A_64 = vector.shape_cast %reduce_max3A_63 : vector<64xf32> to vector<64x1xf32>
      %sub3A = vector.broadcast %broadcast_in_dim3A_64 : vector<64x1xf32> to vector<64x16xf32>
      %sub3A_65 = arith.subf %div3A, %sub3A : vector<64x16xf32>
      %exp3A = math.exp %sub3A_65 : vector<64x16xf32>
      %reduce_sum3A = arith.constant dense<0.000000e+00> : vector<64xf32>
      %reduce_sum3A_66 = vector.multi_reduction <add>, %exp3A, %reduce_sum3A [1] : vector<64x16xf32> to vector<64xf32>
      %broadcast_in_dim3A_67 = vector.shape_cast %reduce_sum3A_66 : vector<64xf32> to vector<64x1xf32>
      %log3A = math.log %broadcast_in_dim3A_67 : vector<64x1xf32>
      %sub3A_68 = vector.broadcast %broadcast_in_dim3A_64 : vector<64x1xf32> to vector<64x16xf32>
      %sub3A_69 = arith.subf %div3A, %sub3A_68 : vector<64x16xf32>
      %sub3A_70 = vector.broadcast %log3A : vector<64x1xf32> to vector<64x16xf32>
      %sub3A_71 = arith.subf %sub3A_69, %sub3A_70 : vector<64x16xf32>
      %swap3A_72 = arith.constant 0 : index
      %swap3A_73 = arith.constant 0 : index
      %swap3A_74 = vector.load %arg8[%swap3A_72, %swap3A_73] : memref<64x16xf32, #tpu.memory_space<vmem>>, vector<64x16xf32>
      tpu.vector_store %arg8[%swap3A_72, %swap3A_73], %sub3A_71 {strides = array<i32>} : memref<64x16xf32, #tpu.memory_space<vmem>>, vector<64x16xf32>,
    } else {
    }
    return
  }
  func.func @transform_0(%arg0: i32) -> (i32, i32) {
    %c0_i32 = arith.constant 0 : i32
    %c0_i32_0 = arith.constant 0 : i32
    return %arg0, %c0_i32 : i32, i32
  }
  func.func @transform_1(%arg0: i32) -> (i32, i32) {
    %c0_i32 = arith.constant 0 : i32
    %c0_i32_0 = arith.constant 0 : i32
    return %arg0, %c0_i32 : i32, i32
  }
  func.func @transform_2(%arg0: i32) -> (i32, i32) {
    %c0_i32 = arith.constant 0 : i32
    %c0_i32_0 = arith.constant 0 : i32
    return %arg0, %c0_i32 : i32, i32
  }
  func.func @transform_3(%arg0: i32) -> (i32, i32) {
    %c0_i32 = arith.constant 0 : i32
    %c0_i32_0 = arith.constant 0 : i32
    return %arg0, %c0_i32 : i32, i32
  }
  func.func @transform_4(%arg0: i32) -> (i32, i32) {
    %c0_i32 = arith.constant 0 : i32
    %c0_i32_0 = arith.constant 0 : i32
    %c0_i32_1 = arith.constant 0 : i32
    return %c0_i32, %c0_i32_0 : i32, i32
  }
  func.func @transform_5(%arg0: i32) -> (i32, i32) {
    %c0_i32 = arith.constant 0 : i32
    %c0_i32_0 = arith.constant 0 : i32
    %c0_i32_1 = arith.constant 0 : i32
    return %c0_i32, %c0_i32_0 : i32, i32
  }
  func.func @transform_6(%arg0: i32) -> (i32, i32) {
    %c0_i32 = arith.constant 0 : i32
    %c0_i32_0 = arith.constant 0 : i32
    return %arg0, %c0_i32 : i32, i32
  }
  func.func @transform_7(%arg0: i32) -> (i32, i32) {
    %c0_i32 = arith.constant 0 : i32
    %c0_i32_0 = arith.constant 0 : i32
    %c0_i32_1 = arith.constant 0 : i32
    return %c0_i32, %c0_i32_0 : i32, i32
  }
}

</mosaic_0001>

<sc_bundles>
// kernel: kernel.6.cloned.1.call-start
scs
__scs_entry_jumppad:
0x0: {  	(pc) =	sbr.rel $0x88, $3  }
0x1: {  	(tag) =	ssettag $0x0;
	lr =	simm.s32 $0x1  }
0x2: {  	[smem:$0x3F98] =	sst lr;
	_ =	strace $0xD0000000  }
0x3: {  	_ = 	snop  }
0x4: {  	_ = 	snop  }
0x5: {  	_ = 	snop  }
0x6: {  	_ = 	snop  }
0x7: {  	_ = 	snop  }
__scs_overlays_trampoline_lowered:
0x8: {  	[smem:$0x3FA7] =	sst s0  }
0x9: {  	[smem:$0x3FA8] =	sst s1  }
0xa: {  	[smem:$0x3FA9] =	sst s2  }
0xb: {  	[smem:$0x3FAA] =	sst s3  }
0xc: {  	[smem:$0x3FAB] =	sst s4  }
0xd: {  	[smem:$0x3FAC] =	sst s5  }
0xe: {  	[smem:$0x3FAD] =	sst s6  }
0xf: {  	[smem:$0x3FAE] =	sst s7  }
0x10: {  	[smem:$0x3FAF] =	sst s8  }
0x11: {  	[smem:$0x3FB0] =	sst s9;
	s0 =	simm.s32 @!p0 $0x0  }
0x12: {  	s1 =	sld [smem:$0x3F96];
	s0 =	simm.s32 @p0 $0x1  }
0x13: {  	[smem:$0x3FB1] =	sst s0;
	s0 =	simm.s32 @!p1 $0x0  }
0x14: {  	s2 =	sld [smem:$0x3F95];
	s0 =	simm.s32 @p1 $0x1  }
0x15: {  	[smem:$0x3FB2] =	sst s0;
	s0 =	simm.s32 @!p2 $0x0  }
0x16: {  	s3 =	sld [smem:$0x3FDB];
	s0 =	simm.s32 @p2 $0x1  }
0x17: {  	s4 =	simm.s32 $0x1BF5;
	[smem:$0x3FB4] =	sst s0  }
0x18: {  	s0 =	sld [smem:$0x3F97];
	_ =	swait.ge [sflag:s4], $0x0  }
0x19: {  	s7 =	sld [smem:$0x3F98]  }
0x1a: {  	s8 =	sadd.s32 $0xFFFFE003, lr  }
0x1b: {  	s9 =	sadd.s32 $0xFFFFFEF7, lr;
	s5 =	simm.s32 $0xFFFFFFFF;
	p2 =	slt.u32 s8, $0xFFFFF086  }
0x1c: {  	p1 =	slt.u32 s9, $0xF7A;
	s5 =	simm.s32 @!p2 $0x0  }
0x1d: {  	s5 =	simm.s32 @p1 $0x1;
	p0 =	seq.s32 s7, s2  }
0x1e: {  	s7 =	smul.u32 @!p0 $0xF7A, s2;
	p2 =	seq.s32 @!p0 s5, $0x0  }
0x1f: {  	s9 =	smul.u32 $0xF7A, s1;
	s8 =	simm.s32 @!p0 $0x1BF5;
	p2 =	por !p2, p0  }
0x20: {  	[sflag:s8] =	ssyncset.s32 @!p0 $0xFFFFF086;
	s6 =	sadd.s32 @!p0 s3, s7;
	s7 =	simm.s32 @!p0 $0x108  }
0x21: {  	s3 =	sadd.s32 s3, s9;
	s6 =	sadd.s32 @!p0 $0x88, s6;
	s7 =	simm.s32 @p2 $0x1082  }
0x22: {  	[simem:s7], [sflag:s8] =	dma.local @!p0 [hbm:s6], $0xF7A  }
0x23: {  	s9 =	sor.u32 $0xD0000000, s2;
	s6 =	simm.s32 $0x108;
	_ =	swait.ge @!p0 [sflag:s8], $0x0  }
0x24: {  	s3 =	sadd.s32 $0x88, s3;
	s6 =	simm.s32 @!p1 $0x1082;
	[sflag:s4] =	ssyncset.s32 $0xFFFFF086  }
0x25: {  	[simem:s6], [sflag:s4] =	dma.local [hbm:s3], $0xF7A  }
0x26: {  	[smem:$0x3F98] =	sst s1;
	(tag) =	ssettag s2;
	_ =	strace s9  }
0x27: {  	s1 =	sld [smem:$0x3FA8]  }
0x28: {  	s2 =	sld [smem:$0x3FA9]  }
0x29: {  	s4 =	sld [smem:$0x3FAB]  }
0x2a: {  	p0 =	seq.s32 s5, $0x0;
	s5 =	sld [smem:$0x3FAC]  }
0x2b: {  	s6 =	sld [smem:$0x3FAD]  }
0x2c: {  	s7 =	sld [smem:$0x3FAE]  }
0x2d: {  	s3 =	simm.s32 $0x108;
	s8 =	sld [smem:$0x3FAF]  }
0x2e: {  	s3 =	simm.s32 @!p0 $0x1082;
	s9 =	sld [smem:$0x3FB0]  }
0x2f: {  	lr =	sadd.s32 s0, s3;
	s0 =	sld [smem:$0x3FA7]  }
0x30: {  	s3 =	sld [smem:$0x3FAA]  }
0x31: {  	[smem:$0x3FB3] =	sst s10  }
0x32: {  	s10 =	sld [smem:$0x3FB1];
	_ =	sdelay $0x3  }
0x33: {  	p0 =	seq.s32 s10, $0x1;
	s10 =	sld [smem:$0x3FB3];
	_ =	sdelay $0x3  }
0x34: {  	[smem:$0x3FB3] =	sst s10  }
0x35: {  	s10 =	sld [smem:$0x3FB2];
	_ =	sdelay $0x3  }
0x36: {  	p1 =	seq.s32 s10, $0x1;
	s10 =	sld [smem:$0x3FB3];
	_ =	sdelay $0x3  }
0x37: {  	[smem:$0x3FB3] =	sst s10  }
0x38: {  	s10 =	sld [smem:$0x3FB4]  }
0x39: {  	_ = 	snop;
	(pc) =	sbr.ind lr, $3  }
0x3a: {  	_ = 	snop  }
0x3b: {  	_ = 	snop  }
0x3c: {  	p2 =	seq.s32 s10, $0x1;
	s10 =	sld [smem:$0x3FB3]  }
0x3d: {  	_ =	shalt  }
0x3e: {  	_ =	shalt  }
0x3f: {  	_ =	shalt  }
0x40: {  	_ =	shalt  }
0x41: {  	_ =	shalt  }
0x42: {  	_ =	shalt  }
0x43: {  	_ =	shalt  }
0x44: {  	_ =	shalt  }
0x45: {  	_ =	shalt  }
0x46: {  	_ =	shalt  }
0x47: {  	_ =	shalt  }
0x48: {  	_ =	shalt  }
0x49: {  	_ =	shalt  }
0x4a: {  	_ =	shalt  }
0x4b: {  	_ =	shalt  }
0x4c: {  	_ =	shalt  }
0x4d: {  	_ =	shalt  }
0x4e: {  	_ =	shalt  }
0x4f: {  	_ =	shalt  }
0x50: {  	_ =	shalt  }
0x51: {  	_ =	shalt  }
0x52: {  	_ =	shalt  }
0x53: {  	_ =	shalt  }
0x54: {  	_ =	shalt  }
0x55: {  	_ =	shalt  }
0x56: {  	_ =	shalt  }
0x57: {  	_ =	shalt  }
0x58: {  	_ =	shalt  }
0x59: {  	_ =	shalt  }
0x5a: {  	_ =	shalt  }
0x5b: {  	_ =	shalt  }
0x5c: {  	_ =	shalt  }
0x5d: {  	_ =	shalt  }
0x5e: {  	_ =	shalt  }
0x5f: {  	_ =	shalt  }
0x60: {  	_ =	shalt  }
0x61: {  	_ =	shalt  }
0x62: {  	_ =	shalt  }
0x63: {  	_ =	shalt  }
0x64: {  	_ =	shalt  }
0x65: {  	_ =	shalt  }
0x66: {  	_ =	shalt  }
0x67: {  	_ =	shalt  }
0x68: {  	_ =	shalt  }
0x69: {  	_ =	shalt  }
0x6a: {  	_ =	shalt  }
0x6b: {  	_ =	shalt  }
0x6c: {  	_ =	shalt  }
0x6d: {  	_ =	shalt  }
0x6e: {  	_ =	shalt  }
0x6f: {  	_ =	shalt  }
0x70: {  	_ =	shalt  }
0x71: {  	_ =	shalt  }
0x72: {  	_ =	shalt  }
0x73: {  	_ =	shalt  }
0x74: {  	_ =	shalt  }
0x75: {  	_ =	shalt  }
0x76: {  	_ =	shalt  }
0x77: {  	_ =	shalt  }
0x78: {  	_ =	shalt  }
0x79: {  	_ =	shalt  }
0x7a: {  	_ =	shalt  }
0x7b: {  	_ =	shalt  }
0x7c: {  	_ =	shalt  }
0x7d: {  	_ =	shalt  }
0x7e: {  	_ =	shalt  }
0x7f: {  	_ =	shalt  }
0x80: {  	_ =	shalt  }
0x81: {  	_ =	shalt  }
0x82: {  	_ =	shalt  }
0x83: {  	_ =	shalt  }
0x84: {  	_ =	shalt  }
0x85: {  	_ =	shalt  }
0x86: {  	_ =	shalt  }
0x87: {  	_ =	shalt  }
.Lfunc_end0:
.L_simem_size_0:
called_computation_lowered:
.L_overlay_start_0:
0x88: {  	s2 =	sld [smem:$0x3FD9]  }
0x89: {  	s3 =	sld [smem:$0x3FFE];
	_ =	sdelay $0x1  }
0x8a: {  	s1 =	srdreg.scid  }
0x8b: {  	s0 =	sand.u32 $0x1, s1  }
0x8c: {  	s17 =	sshll.u32 s0, $0xA;
	s2 =	sadd.s32 s3, s2  }
0x8d: {  	s2 =	sadd.s32 s2, s17  }
0x8e: {  	[smem:$0x3FBF] =	sst s2  }
0x8f: {  	_ = 	snop  }
0x90: {  	s2 =	sld [smem:$0x3FC9]  }
0x91: {  	s18 =	sld [smem:$0x3FD0];
	(tm) =	ssettm $0x1  }
0x92: {  	s4 =	sld [smem:$0x3FFB];
	_ =	sdelay $0x3  }
0x93: {  	_ =	strace s4  }
0x94: {  	s4 =	sld [smem:$0x3FFC];
	_ =	sdelay $0x3  }
0x95: {  	_ =	strace s4  }
0x96: {  	s4 =	sld [smem:$0x3FFD];
	_ =	sdelay $0x3  }
0x97: {  	_ =	strace s4  }
0x98: {  	_ =	strace $0x8FFFFFFF  }
0x99: {  	s19 =	sld [smem:$0x3FDB];
	_ =	sdelay $0x1  }
0x9a: {  	s5 =	simm.s32 $_scs_section_size  }
0x9b: {  	s6 =	simm.s32 $_size__tile_overlayer_lowered;
	s7 =	simm.s32 $_tile_overlayer_lowered  }
0x9c: {  	s22 =	simm.s32 $0x1BFF;
	s21 =	sshll.u32 s7, $0x1;
	s4 =	sadd.s32 s5, s19  }
0x9d: {  	s8 =	simm.s32 $0x0;
	s20 =	sshll.u32 s6, $0x1;
	s6 =	sadd.s32 s21, s4  }
0x9e: {  	[timem:s8], [sflag:s22] =	dma.local [hbm:s6], s20  }
0x9f: {  	_ =	swait.ge [sflag:s22], s20  }
0xa0: {  	s5 =	ssub.s32 $0x0, s20;
	[sflag:s22] =	ssyncset.done $0x0  }
0xa1: {  	[sflag:s22] =	ssyncadd.s32 s5;
	_ =	sdelay $0x1  }
0xa2: {  	s23 =	simm.s32 $0x1B8B  }
0xa3: {  	_ =	swait.ge [sflag:s23], $0x1  }
0xa4: {  	[sflag:s23] =	ssyncset.done $0x0  }
0xa5: {  	s25 =	simm.s32 $0x1B8E;
	s24 =	sld [smem:$0x3FFE];
	[sflag:s23] =	ssyncadd.s32 $0xFFFFFFFF  }
0xa6: {  	s26 =	simm.s32 $execute0_lowered;
	[smem:$0x3FD2] =	sst s25  }
0xa7: {  	s6 =	sshll.u32 s26, $0x1;
	_ =	strace $0x80000046;
	[dreg:$0x1] =	wrdreg $0xFFFFFFFF  }
0xa8: {  	s28 =	simm.s32 $_size_execute0_lowered;
	s4 =	sadd.s32 s4, s6;
	[dreg:$0x0] =	wrdreg $0x0  }
0xa9: {  	s6 =	sshll.u32 s28, $0x1;
	[dreg:$0x2] =	wrdreg s4  }
0xaa: {  	[dreg:$0x3] =	wrdreg s6  }
0xab: {  	[dreg:$0x4] =	wrdreg $0xC0  }
0xac: {  	_ =	task [dreg:s8], $0x5FFFF  }
0xad: {  	[dreg:$0x1] =	wrdreg $0xFFFFFFFF  }
0xae: {  	[dreg:$0x0] =	wrdreg $0x60  }
0xaf: {  	[dreg:$0x2] =	wrdreg s2  }
0xb0: {  	[dreg:$0x3] =	wrdreg s24  }
0xb1: {  	[dreg:$0x4] =	wrdreg s18  }
0xb2: {  	[dreg:$0x5] =	wrdreg $0x90000  }
0xb3: {  	[dreg:$0x6] =	wrdreg $0x1D4000  }
0xb4: {  	[dreg:$0x7] =	wrdreg $0x9  }
0xb5: {  	_ =	task.clear_ibuf [dreg:s8], $0x8FFFF;
	_ =	strace $0x90000046  }
0xb6: {  	s29 =	simm.s32 $0x9;
	_ =	strace $0x80000048  }
0xb7: {  	_ =	swait.ge [sflag:s29], $0x1  }
0xb8: {  	[sflag:s29] =	ssyncadd.s32 $0xFFFFFFFF  }
0xb9: {  	_ =	strace $0x90000048  }
0xba: {  	_ =	sfence  }
0xbb: {  	s30 =	sld [smem:$0x0];
	_ =	sdelay $0x2  }
0xbc: {  	s31 =	sshll.u32 s1, $0xD;
	s1 =	sshrl.u32 s1, $0x2  }
0xbd: {  	s3 =	sand.u32 $0x4000, s31;
	s1 =	sadd.s32 s1, s30  }
0xbe: {  	s0 =	sor.u32 s3, s0;
	s1 =	sshll.u32 s1, $0x11  }
0xbf: {  	s0 =	sor.u32 s1, s0  }
0xc0: {  	s0 =	sadd.s32 $0x8F2B, s0  }
0xc1: {  	[sflag:s0] =	ssyncadd.remote.s32 $0x1  }
0xc2: {  	_ =	sfence.sel $0xFFFF  }
0xc3: {  	[dreg:$0x0] =	wrdreg $0xFFFFFFFF;
	(pc) =	sbr.abs _section_cstart, $3  }
0xc4: {  	[dreg:$0x1] =	wrdreg $0xFFFFFFFF  }
0xc5: {  	_ =	task.clear_ibuf [dreg:s8], $0x2FFFF;
	_ =	strace $0x9FFFFFFF  }
0xc6: {  	(tm) =	ssettm $0x7FFFFFFF  }
0xc7: {  	_ =	shalt  }
tec
execute0_lowered:
.L_overlay_start_1:
0x0: {  	(tag) =	ssettag $0x1  }
0x1: {  	s0 =	rddreg [dreg:$0x0];
	s1 =	srdreg.scid  }
0x2: {  	s3 =	rddreg [dreg:$0x1];
	s2 =	stileid.u32  }
0x3: {  	s4 =	rddreg [dreg:$0x3];
	s18 =	simm.s32 $0x1D000;
	s19 =	simm.s32 $0x2800  }
0x4: {  	s20 =	simm.s32 $0x40;
	s21 =	simm.s32 $0x5000;
	s28 =	simm.s32 $0x4F80  }
0x5: {  	s29 =	simm.s32 $0x4FC0;
	s30 =	simm.s32 $0x5;
	s8 =	smul.u32 $0x14000, s2  }
0x6: {  	s31 =	simm.s32 $0x0;
	s1 =	sand.u32 $0x1, s1;
	s9 =	smul.u32 $0x2800, s2  }
0x7: {  	s26 =	sshll.u32 s2, $0x6;
	s5 =	sshll.u32 s1, $0x4;
	s10 =	smul.u32 $0x140000, s1  }
0x8: {  	s13 =	smul.u32 $0x28000, s1;
	s1 =	ssub.s32 $0x2, s1;
	s6 =	sor.u32 s2, s5  }
0x9: {  	s5 =	rddreg [dreg:$0x4];
	s11 =	sshrl.u32 s8, $0x3;
	s12 =	sshrl.u32 s9, $0x3  }
0xa: {  	s25 =	sshrl.u32 s1, $0x1;
	s16 =	sadd.s32 s8, s4;
	s7 =	smul.u32 $0x500, s6  }
0xb: {  	s6 =	simm.s32 $0x0;
	s22 =	sadd.s32 s11, s3;
	s23 =	sadd.s32 s12, s3  }
0xc: {  	s10 =	sadd.s32 s8, s10;
	s24 =	sadd.s32 s9, s13;
	s1 =	ssub.s32 s1, s25  }
0xd: {  	s8 =	sor.u32 $0x1C06, s26;
	s17 =	sadd.s32 s9, s5;
	s25 =	simm.s32 $0x3  }
0xe: {  	s26 =	simm.s32 $0x4;
	[smem:$0x7FF] =	sst s6;
	s10 =	sshrl.u32 s10, $0x3  }
0xf: {  	s12 =	sshrl.u32 s24, $0x3;
	s9 =	sadd.s32 $0x16400, s23;
	s17 =	sshrl.u32 s17, $0x3  }
0x10: {  	s23 =	simm.s32 $0x1;
	s24 =	simm.s32 $0x2;
	_ =	strace $0x80000047  }
0x11: {  	s14 =	sadd.s32 s7, s3;
	s15 =	sadd.s32 s10, s3;
	s3 =	sadd.s32 s12, s3  }
0x12: {  	s7 =	sadd.s32 $0x1B400, s22;
	s22 =	simm.s32 $0x7000;
	s10 =	sadd.s32 $0xC400, s14  }
0x13: {  	s11 =	sadd.s32 $0x2400, s14;
	s12 =	sadd.s32 $0x4D400, s15;
	s13 =	sadd.s32 $0x43400, s3  }
0x14: {  	s14 =	smax.u32 s1, $0x1;
	s15 =	sshrl.u32 s16, $0x3;
	s16 =	simm.s32 $0x6  }
.LBB2_1:
0x15: {  	[spmem:s15], [sflag:s8] =	dma.local [hbm:s7], $0x2800  }
0x16: {  	_ =	swait.ge [sflag:s16], $0x2800  }
0x17: {  	[sflag:s16] =	ssyncset.done $0x0  }
0x18: {  	[sflag:s16] =	ssyncadd.s32 $0xFFFFD800  }
0x19: {  	[spmem:s17], [sflag:s8] =	dma.local [hbm:s9], $0x500  }
0x1a: {  	_ =	swait.ge [sflag:s16], $0x500  }
0x1b: {  	[sflag:s16] =	ssyncset.done $0x0  }
0x1c: {  	[sflag:s16] =	ssyncadd.s32 $0xFFFFFB00  }
0x1d: {  	s1 =	rddreg [dreg:$0x2]  }
0x1e: {  	[tilespmem:s18], [sflag:$0x6] =	stream.linear.gather [hbm4b:s1+s6], $0x400, $0x38;
	[tilespmem:$0x1FC00] =	vst v63  }
0x1f: {  	_ =	swait.ge [sflag:s16], $0x400  }
0x20: {  	[sflag:s16] =	ssyncset.done $0x0  }
0x21: {  	[sflag:s16] =	ssyncadd.s32 $0xFFFFFC00  }
0x22: {  	[tilespmem:s6], [sflag:$0x6] =	stream.linear.gather [hbm4b:s10+s6], $0x2800, $0x38;
	[tilespmem:$0x1FC00] =	vst v63  }
0x23: {  	_ =	swait.ge [sflag:s16], $0x2800  }
0x24: {  	[sflag:s16] =	ssyncset.done $0x0  }
0x25: {  	[sflag:s16] =	ssyncadd.s32 $0xFFFFD800  }
0x26: {  	[tilespmem:s19], [sflag:$0x6] =	stream.linear.gather [hbm4b:s11+s6], $0x2800, $0x38;
	[tilespmem:$0x1FC00] =	vst v63  }
0x27: {  	_ =	swait.ge [sflag:s16], $0x2800  }
0x28: {  	[sflag:s16] =	ssyncset.done $0x0  }
0x29: {  	[sflag:s16] =	ssyncadd.s32 $0xFFFFD800  }
0x2a: {  	[bflag:$0x0] =	sbarrier.arrive $0xFFFF  }
0x2b: {  	[tilespmem:s21], [sflag:$0x1] =	stream.indirect.gather [hbm4b:s0+s20], $0x80, s6, s20, $0xb8;
	[tilespmem:$0x1FC00] =	vst v63  }
0x2c: {  	_ = 	snop  }
0x2d: {  	[tilespmem:s22], [sflag:$0x2] =	stream.indirect.gather [hbm4b:s0+s20], $0x80, s20, s20, $0xb8;
	[tilespmem:$0x1FC00] =	vst v63  }
0x2e: {  	_ =	swait.ge [sflag:s23], $0x2000  }
0x2f: {  	[sflag:s23] =	ssyncset.done $0x0  }
0x30: {  	s3 =	simm.s32 $0x2800;
	[sflag:s23] =	ssyncadd.s32 $0xFFFFE000  }
0x31: {  	[spmem:s4] =	stream.indirect.scatter.add.f32 [tilespmem:s21], [sflag:$0x3], $0x80, s3, s20, $0xb8;
	[tilespmem:$0x1FC00] =	vst v63  }
0x32: {  	_ = 	snop  }
0x33: {  	[spmem:s5] =	stream.indirect.scatter.add.f32 [tilespmem:s18], [sflag:$0x5], $0x10, s3, s20, $0xb8;
	[tilespmem:$0x1FC00] =	vst v63  }
0x34: {  	_ =	swait.ge [sflag:s24], $0x2000  }
0x35: {  	[sflag:s24] =	ssyncset.done $0x0  }
0x36: {  	s2 =	simm.s32 $0x2840;
	[sflag:s24] =	ssyncadd.s32 $0xFFFFE000  }
0x37: {  	[spmem:s4] =	stream.indirect.scatter.add.f32 [tilespmem:s22], [sflag:$0x4], $0x80, s2, s20, $0xb8;
	[tilespmem:$0x1FC00] =	vst v63  }
0x38: {  	_ = 	snop  }
0x39: {  	[spmem:s5] =	stream.indirect.scatter.add.f32 [tilespmem:s18], [sflag:$0x5], $0x10, s2, s20, $0xb8;
	[tilespmem:$0x1FC00] =	vst v63  }
0x3a: {  	_ =	swait.ge [sflag:s25], $0x2000  }
0x3b: {  	[sflag:s25] =	ssyncset.done $0x0  }
0x3c: {  	s3 =	simm.s32 $0x80;
	[sflag:s25] =	ssyncadd.s32 $0xFFFFE000  }
0x3d: {  	[tilespmem:s21], [sflag:$0x1] =	stream.indirect.gather [hbm4b:s0+s20], $0x80, s3, s20, $0xb8;
	[tilespmem:$0x1FC00] =	vst v63  }
0x3e: {  	_ =	swait.ge [sflag:s26], $0x2000  }
0x3f: {  	[sflag:s26] =	ssyncset.done $0x0  }
0x40: {  	s1 =	simm.s32 $0xC0;
	s3 =	simm.s32 $0x200;
	[sflag:s26] =	ssyncadd.s32 $0xFFFFE000  }
.LBB2_2:
0x41: {  	[tilespmem:s22], [sflag:$0x2] =	stream.indirect.gather [hbm4b:s0+s20], $0x80, s1, s20, $0xb8;
	[tilespmem:$0x1FC00] =	vst v63  }
0x42: {  	s1 =	smov.u32 s3  }
0x43: {  	p0 =	sne.s32 s3, $0x9C00;
	s3 =	sadd.s32 $0x200, s3;
	_ =	swait.ge [sflag:s23], $0x2000  }
0x44: {  	s1 =	sshra.s32 s1, $0x2;
	[sflag:s23] =	ssyncset.done $0x0  }
0x45: {  	s2 =	sadd.s32 $0x2800, s1;
	[sflag:s23] =	ssyncadd.s32 $0xFFFFE000  }
0x46: {  	[spmem:s4] =	stream.indirect.scatter.add.f32 [tilespmem:s21], [sflag:$0x3], $0x80, s2, s20, $0xb8;
	[tilespmem:$0x1FC00] =	vst v63  }
0x47: {  	_ = 	snop  }
0x48: {  	[spmem:s5] =	stream.indirect.scatter.add.f32 [tilespmem:s18], [sflag:$0x5], $0x10, s2, s20, $0xb8;
	[tilespmem:$0x1FC00] =	vst v63  }
0x49: {  	_ =	swait.ge [sflag:s24], $0x2000  }
0x4a: {  	[sflag:s24] =	ssyncset.done $0x0  }
0x4b: {  	s2 =	sadd.s32 $0x2840, s1;
	[sflag:s24] =	ssyncadd.s32 $0xFFFFE000  }
0x4c: {  	[spmem:s4] =	stream.indirect.scatter.add.f32 [tilespmem:s22], [sflag:$0x4], $0x80, s2, s20, $0xb8;
	[tilespmem:$0x1FC00] =	vst v63  }
0x4d: {  	_ = 	snop  }
0x4e: {  	[spmem:s5] =	stream.indirect.scatter.add.f32 [tilespmem:s18], [sflag:$0x5], $0x10, s2, s20, $0xb8;
	[tilespmem:$0x1FC00] =	vst v63  }
0x4f: {  	_ =	swait.ge [sflag:s25], $0x2000  }
0x50: {  	[sflag:s25] =	ssyncset.done $0x0  }
.Ltmp0:
0x51: {  	s2 =	sadd.s32 $0x80, s1;
	[sflag:s25] =	ssyncadd.s32 $0xFFFFE000;
	(pc) =	sbr.rel @p0 .LBB2_2-.Ltmp0, $4  }
0x52: {  	[tilespmem:s21], [sflag:$0x1] =	stream.indirect.gather [hbm4b:s0+s20], $0x80, s2, s20, $0xb8;
	[tilespmem:$0x1FC00] =	vst v63  }
0x53: {  	_ =	swait.ge [sflag:s26], $0x2000  }
0x54: {  	[sflag:s26] =	ssyncset.done $0x0  }
0x55: {  	s1 =	sadd.s32 $0xC0, s1;
	[sflag:s26] =	ssyncadd.s32 $0xFFFFE000  }
0x56: {  	[tilespmem:s22], [sflag:$0x2] =	stream.indirect.gather [hbm4b:s0+s20], $0x80, s1, s20, $0xb8;
	[tilespmem:$0x1FC00] =	vst v63  }
0x57: {  	_ =	swait.ge [sflag:s23], $0x2000  }
0x58: {  	[sflag:s23] =	ssyncset.done $0x0  }
0x59: {  	[sflag:s23] =	ssyncadd.s32 $0xFFFFE000  }
0x5a: {  	[spmem:s4] =	stream.indirect.scatter.add.f32 [tilespmem:s21], [sflag:$0x3], $0x80, s28, s20, $0xb8;
	[tilespmem:$0x1FC00] =	vst v63  }
0x5b: {  	_ = 	snop  }
0x5c: {  	[spmem:s5] =	stream.indirect.scatter.add.f32 [tilespmem:s18], [sflag:$0x5], $0x10, s28, s20, $0xb8;
	[tilespmem:$0x1FC00] =	vst v63  }
0x5d: {  	_ =	swait.ge [sflag:s24], $0x2000  }
0x5e: {  	[sflag:s24] =	ssyncset.done $0x0  }
0x5f: {  	[sflag:s24] =	ssyncadd.s32 $0xFFFFE000  }
0x60: {  	[spmem:s4] =	stream.indirect.scatter.add.f32 [tilespmem:s22], [sflag:$0x4], $0x80, s29, s20, $0xb8;
	[tilespmem:$0x1FC00] =	vst v63  }
0x61: {  	_ = 	snop  }
0x62: {  	[spmem:s5] =	stream.indirect.scatter.add.f32 [tilespmem:s18], [sflag:$0x5], $0x10, s29, s20, $0xb8;
	[tilespmem:$0x1FC00] =	vst v63  }
0x63: {  	_ =	swait.ge [sflag:s25], $0x2000  }
0x64: {  	[sflag:s25] =	ssyncset.done $0x0  }
0x65: {  	[sflag:s25] =	ssyncadd.s32 $0xFFFFE000  }
0x66: {  	_ =	swait.ge [sflag:s26], $0x2000  }
0x67: {  	[sflag:s26] =	ssyncset.done $0x0  }
0x68: {  	[sflag:s26] =	ssyncadd.s32 $0xFFFFE000  }
0x69: {  	_ =	swait.ge [sflag:s30], $0x400  }
0x6a: {  	s3 =	simm.s32 $0x9F;
	[sflag:s30] =	ssyncset.done $0x0  }
.LBB2_4:
0x6b: {  	p0 =	sne.s32 s3, $0x1;
	s3 =	sadd.s32 $0xFFFFFFFF, s3;
	[sflag:s30] =	ssyncadd.s32 $0xFFFFFC00  }
.Ltmp1:
0x6c: {  	(pc) =	sbr.rel @p0 .LBB2_4-.Ltmp1, $3  }
0x6d: {  	_ =	sdelay $0x1  }
0x6e: {  	_ =	swait.ge [sflag:s30], $0x400  }
0x6f: {  	[sflag:s30] =	ssyncset.done $0x0  }
0x70: {  	[sflag:s30] =	ssyncadd.s32 $0xFFFFFC00  }
0x71: {  	[bflag:$0x0] =	sbarrier.arrive $0xFFFF  }
0x72: {  	[hbm:s12], [sflag:s8] =	dma.local [spmem:s15], $0x2800  }
0x73: {  	s31 =	sadd.s32 $0x1, s31;
	_ =	swait.ge [sflag:s16], $0x2800  }
0x74: {  	p0 =	sne.s32 s31, s14;
	[sflag:s16] =	ssyncset.done $0x0  }
.Ltmp2:
0x75: {  	[sflag:s16] =	ssyncadd.s32 $0xFFFFD800;
	(pc) =	sbr.rel @p0 .LBB2_1-.Ltmp2, $4  }
0x76: {  	[hbm:s13], [sflag:s8] =	dma.local [spmem:s17], $0x500  }
0x77: {  	_ =	swait.ge [sflag:s16], $0x500  }
0x78: {  	[sflag:s16] =	ssyncset.done $0x0  }
0x79: {  	[sflag:s16] =	ssyncadd.s32 $0xFFFFFB00  }
0x7a: {  	_ =	sfence.sel $0x180000  }
0x7b: {  	[bflag:$0x0] =	sbarrier.arrive $0xFFFF  }
0x7c: {  	_ =	strace $0x90000047  }
0x7d: {  	s0 =	stileid.u32;
	[bflag:$0x2] =	sbarrier.arrive $0xFFFF  }
0x7e: {  	p0 =	sne.s32 s0, $0x0;
	s0 =	rddreg [dreg:$0x5]  }
0x7f: {  	s0 =	sadd.s32 @!p0 $0x100000, s0  }
0x80: {  	[sflag:s0] =	ssyncadd.tile.s32 @!p0 $0x1;
	_ =	shalt  }
.Lfunc_end2:
_tile_overlayer_lowered:
.L_overlay_start_2:
0x81: {  	(tag) =	ssettag $0x2  }
0x82: {  	s0 =	rddreg [dreg:$0x0];
	s2 =	stileid.u32  }
0x83: {  	s1 =	rddreg [dreg:$0x1];
	p0 =	sne.s32 s2, $0x0  }
0x84: {  	s3 =	rddreg [dreg:$0x2];
	[bflag:$0x3] =	sbarrier.arrive $0xFFFF;
	s2 =	simm.s32 @!p0 $0x1C06  }
0x85: {  	[timem:s3], [sflag:s2] =	dma.local @!p0 [hbm:s0], s1  }
0x86: {  	s0 =	simm.s32 @!p0 $0x6  }
0x87: {  	_ =	swait.ge @!p0 [sflag:s0], s1  }
0x88: {  	s1 =	ssub.s32 @!p0 $0x0, s1;
	[sflag:s0] =	ssyncset.done @!p0 $0x0  }
0x89: {  	[sflag:s0] =	ssyncadd.s32 @!p0 s1  }
0x8a: {  	[bflag:$0x3] =	sbarrier.arrive $0xFFFF  }
0x8b: {  	_ =	shalt  }

// kernel: kernel.9.cloned.1.call-start
scs
__scs_entry_jumppad:
0x0: {  	(pc) =	sbr.rel $0x88, $3  }
0x1: {  	(tag) =	ssettag $0x0;
	lr =	simm.s32 $0x1  }
0x2: {  	[smem:$0x3F98] =	sst lr;
	_ =	strace $0xD0000000  }
0x3: {  	_ = 	snop  }
0x4: {  	_ = 	snop  }
0x5: {  	_ = 	snop  }
0x6: {  	_ = 	snop  }
0x7: {  	_ = 	snop  }
__scs_overlays_trampoline_lowered:
0x8: {  	[smem:$0x3FA7] =	sst s0  }
0x9: {  	[smem:$0x3FA8] =	sst s1  }
0xa: {  	[smem:$0x3FA9] =	sst s2  }
0xb: {  	[smem:$0x3FAA] =	sst s3  }
0xc: {  	[smem:$0x3FAB] =	sst s4  }
0xd: {  	[smem:$0x3FAC] =	sst s5  }
0xe: {  	[smem:$0x3FAD] =	sst s6  }
0xf: {  	[smem:$0x3FAE] =	sst s7  }
0x10: {  	[smem:$0x3FAF] =	sst s8  }
0x11: {  	[smem:$0x3FB0] =	sst s9;
	s0 =	simm.s32 @!p0 $0x0  }
0x12: {  	s1 =	sld [smem:$0x3F96];
	s0 =	simm.s32 @p0 $0x1  }
0x13: {  	[smem:$0x3FB1] =	sst s0;
	s0 =	simm.s32 @!p1 $0x0  }
0x14: {  	s2 =	sld [smem:$0x3F95];
	s0 =	simm.s32 @p1 $0x1  }
0x15: {  	[smem:$0x3FB2] =	sst s0;
	s0 =	simm.s32 @!p2 $0x0  }
0x16: {  	s3 =	sld [smem:$0x3FDB];
	s0 =	simm.s32 @p2 $0x1  }
0x17: {  	s4 =	simm.s32 $0x1BF5;
	[smem:$0x3FB4] =	sst s0  }
0x18: {  	s0 =	sld [smem:$0x3F97];
	_ =	swait.ge [sflag:s4], $0x0  }
0x19: {  	s7 =	sld [smem:$0x3F98]  }
0x1a: {  	s8 =	sadd.s32 $0xFFFFE003, lr  }
0x1b: {  	s9 =	sadd.s32 $0xFFFFFEF7, lr;
	s5 =	simm.s32 $0xFFFFFFFF;
	p2 =	slt.u32 s8, $0xFFFFF086  }
0x1c: {  	p1 =	slt.u32 s9, $0xF7A;
	s5 =	simm.s32 @!p2 $0x0  }
0x1d: {  	s5 =	simm.s32 @p1 $0x1;
	p0 =	seq.s32 s7, s2  }
0x1e: {  	s7 =	smul.u32 @!p0 $0xF7A, s2;
	p2 =	seq.s32 @!p0 s5, $0x0  }
0x1f: {  	s9 =	smul.u32 $0xF7A, s1;
	s8 =	simm.s32 @!p0 $0x1BF5;
	p2 =	por !p2, p0  }
0x20: {  	[sflag:s8] =	ssyncset.s32 @!p0 $0xFFFFF086;
	s6 =	sadd.s32 @!p0 s3, s7;
	s7 =	simm.s32 @!p0 $0x108  }
0x21: {  	s3 =	sadd.s32 s3, s9;
	s6 =	sadd.s32 @!p0 $0x88, s6;
	s7 =	simm.s32 @p2 $0x1082  }
0x22: {  	[simem:s7], [sflag:s8] =	dma.local @!p0 [hbm:s6], $0xF7A  }
0x23: {  	s9 =	sor.u32 $0xD0000000, s2;
	s6 =	simm.s32 $0x108;
	_ =	swait.ge @!p0 [sflag:s8], $0x0  }
0x24: {  	s3 =	sadd.s32 $0x88, s3;
	s6 =	simm.s32 @!p1 $0x1082;
	[sflag:s4] =	ssyncset.s32 $0xFFFFF086  }
0x25: {  	[simem:s6], [sflag:s4] =	dma.local [hbm:s3], $0xF7A  }
0x26: {  	[smem:$0x3F98] =	sst s1;
	(tag) =	ssettag s2;
	_ =	strace s9  }
0x27: {  	s1 =	sld [smem:$0x3FA8]  }
0x28: {  	s2 =	sld [smem:$0x3FA9]  }
0x29: {  	s4 =	sld [smem:$0x3FAB]  }
0x2a: {  	p0 =	seq.s32 s5, $0x0;
	s5 =	sld [smem:$0x3FAC]  }
0x2b: {  	s6 =	sld [smem:$0x3FAD]  }
0x2c: {  	s7 =	sld [smem:$0x3FAE]  }
0x2d: {  	s3 =	simm.s32 $0x108;
	s8 =	sld [smem:$0x3FAF]  }
0x2e: {  	s3 =	simm.s32 @!p0 $0x1082;
	s9 =	sld [smem:$0x3FB0]  }
0x2f: {  	lr =	sadd.s32 s0, s3;
	s0 =	sld [smem:$0x3FA7]  }
0x30: {  	s3 =	sld [smem:$0x3FAA]  }
0x31: {  	[smem:$0x3FB3] =	sst s10  }
0x32: {  	s10 =	sld [smem:$0x3FB1];
	_ =	sdelay $0x3  }
0x33: {  	p0 =	seq.s32 s10, $0x1;
	s10 =	sld [smem:$0x3FB3];
	_ =	sdelay $0x3  }
0x34: {  	[smem:$0x3FB3] =	sst s10  }
0x35: {  	s10 =	sld [smem:$0x3FB2];
	_ =	sdelay $0x3  }
0x36: {  	p1 =	seq.s32 s10, $0x1;
	s10 =	sld [smem:$0x3FB3];
	_ =	sdelay $0x3  }
0x37: {  	[smem:$0x3FB3] =	sst s10  }
0x38: {  	s10 =	sld [smem:$0x3FB4]  }
0x39: {  	_ = 	snop;
	(pc) =	sbr.ind lr, $3  }
0x3a: {  	_ = 	snop  }
0x3b: {  	_ = 	snop  }
0x3c: {  	p2 =	seq.s32 s10, $0x1;
	s10 =	sld [smem:$0x3FB3]  }
0x3d: {  	_ =	shalt  }
0x3e: {  	_ =	shalt  }
0x3f: {  	_ =	shalt  }
0x40: {  	_ =	shalt  }
0x41: {  	_ =	shalt  }
0x42: {  	_ =	shalt  }
0x43: {  	_ =	shalt  }
0x44: {  	_ =	shalt  }
0x45: {  	_ =	shalt  }
0x46: {  	_ =	shalt  }
0x47: {  	_ =	shalt  }
0x48: {  	_ =	shalt  }
0x49: {  	_ =	shalt  }
0x4a: {  	_ =	shalt  }
0x4b: {  	_ =	shalt  }
0x4c: {  	_ =	shalt  }
0x4d: {  	_ =	shalt  }
0x4e: {  	_ =	shalt  }
0x4f: {  	_ =	shalt  }
0x50: {  	_ =	shalt  }
0x51: {  	_ =	shalt  }
0x52: {  	_ =	shalt  }
0x53: {  	_ =	shalt  }
0x54: {  	_ =	shalt  }
0x55: {  	_ =	shalt  }
0x56: {  	_ =	shalt  }
0x57: {  	_ =	shalt  }
0x58: {  	_ =	shalt  }
0x59: {  	_ =	shalt  }
0x5a: {  	_ =	shalt  }
0x5b: {  	_ =	shalt  }
0x5c: {  	_ =	shalt  }
0x5d: {  	_ =	shalt  }
0x5e: {  	_ =	shalt  }
0x5f: {  	_ =	shalt  }
0x60: {  	_ =	shalt  }
0x61: {  	_ =	shalt  }
0x62: {  	_ =	shalt  }
0x63: {  	_ =	shalt  }
0x64: {  	_ =	shalt  }
0x65: {  	_ =	shalt  }
0x66: {  	_ =	shalt  }
0x67: {  	_ =	shalt  }
0x68: {  	_ =	shalt  }
0x69: {  	_ =	shalt  }
0x6a: {  	_ =	shalt  }
0x6b: {  	_ =	shalt  }
0x6c: {  	_ =	shalt  }
0x6d: {  	_ =	shalt  }
0x6e: {  	_ =	shalt  }
0x6f: {  	_ =	shalt  }
0x70: {  	_ =	shalt  }
0x71: {  	_ =	shalt  }
0x72: {  	_ =	shalt  }
0x73: {  	_ =	shalt  }
0x74: {  	_ =	shalt  }
0x75: {  	_ =	shalt  }
0x76: {  	_ =	shalt  }
0x77: {  	_ =	shalt  }
0x78: {  	_ =	shalt  }
0x79: {  	_ =	shalt  }
0x7a: {  	_ =	shalt  }
0x7b: {  	_ =	shalt  }
0x7c: {  	_ =	shalt  }
0x7d: {  	_ =	shalt  }
0x7e: {  	_ =	shalt  }
0x7f: {  	_ =	shalt  }
0x80: {  	_ =	shalt  }
0x81: {  	_ =	shalt  }
0x82: {  	_ =	shalt  }
0x83: {  	_ =	shalt  }
0x84: {  	_ =	shalt  }
0x85: {  	_ =	shalt  }
0x86: {  	_ =	shalt  }
0x87: {  	_ =	shalt  }
.Lfunc_end0:
.L_simem_size_0:
called_computation.1_lowered:
.L_overlay_start_0:
0x88: {  	s2 =	sld [smem:$0x3FD9]  }
0x89: {  	s3 =	sld [smem:$0x3FFE];
	_ =	sdelay $0x1  }
0x8a: {  	s1 =	srdreg.scid  }
0x8b: {  	s0 =	sand.u32 $0x1, s1  }
0x8c: {  	s16 =	sshll.u32 s0, $0xA;
	s2 =	sadd.s32 s3, s2  }
0x8d: {  	s2 =	sadd.s32 s2, s16  }
0x8e: {  	[smem:$0x3FBF] =	sst s2  }
0x8f: {  	_ = 	snop  }
0x90: {  	(tm) =	ssettm $0x1  }
0x91: {  	s17 =	sld [smem:$0x3FFB];
	_ =	sdelay $0x3  }
0x92: {  	_ =	strace s17  }
0x93: {  	s2 =	sld [smem:$0x3FFC];
	_ =	sdelay $0x3  }
0x94: {  	_ =	strace s2  }
0x95: {  	s2 =	sld [smem:$0x3FFD];
	_ =	sdelay $0x3  }
0x96: {  	_ =	strace s2  }
0x97: {  	_ =	strace $0x8FFFFFFF  }
0x98: {  	s18 =	sld [smem:$0x3FDB];
	_ =	sdelay $0x1  }
0x99: {  	s19 =	simm.s32 $_scs_section_size  }
0x9a: {  	s4 =	simm.s32 $_size__tile_overlayer_lowered;
	s5 =	simm.s32 $_tile_overlayer_lowered  }
0x9b: {  	s22 =	simm.s32 $0x1BFF;
	s21 =	sshll.u32 s5, $0x1;
	s2 =	sadd.s32 s19, s18  }
0x9c: {  	s6 =	simm.s32 $0x0;
	s20 =	sshll.u32 s4, $0x1;
	s4 =	sadd.s32 s21, s2  }
0x9d: {  	[timem:s6], [sflag:s22] =	dma.local [hbm:s4], s20  }
0x9e: {  	_ =	swait.ge [sflag:s22], s20  }
0x9f: {  	s3 =	ssub.s32 $0x0, s20;
	[sflag:s22] =	ssyncset.done $0x0  }
0xa0: {  	[sflag:s22] =	ssyncadd.s32 s3;
	_ =	sdelay $0x1  }
0xa1: {  	s23 =	simm.s32 $0x1B8B  }
0xa2: {  	_ =	swait.ge [sflag:s23], $0x1  }
0xa3: {  	[sflag:s23] =	ssyncset.done $0x0  }
0xa4: {  	s25 =	simm.s32 $0x1B8E;
	s24 =	sld [smem:$0x3FFE];
	[sflag:s23] =	ssyncadd.s32 $0xFFFFFFFF  }
0xa5: {  	s26 =	simm.s32 $execute0_lowered;
	[smem:$0x3FD2] =	sst s25  }
0xa6: {  	s4 =	sshll.u32 s26, $0x1;
	_ =	strace $0x80000049;
	[dreg:$0x1] =	wrdreg $0xFFFFFFFF  }
0xa7: {  	s28 =	simm.s32 $_size_execute0_lowered;
	s2 =	sadd.s32 s2, s4;
	[dreg:$0x0] =	wrdreg $0x0  }
0xa8: {  	s4 =	sshll.u32 s28, $0x1;
	[dreg:$0x2] =	wrdreg s2  }
0xa9: {  	[dreg:$0x3] =	wrdreg s4  }
0xaa: {  	[dreg:$0x4] =	wrdreg $0xC0  }
0xab: {  	_ =	task [dreg:s6], $0x5FFFF  }
0xac: {  	[dreg:$0x1] =	wrdreg $0xFFFFFFFF  }
0xad: {  	[dreg:$0x0] =	wrdreg $0x60  }
0xae: {  	[dreg:$0x2] =	wrdreg s24  }
0xaf: {  	[dreg:$0x3] =	wrdreg $0x70000  }
0xb0: {  	[dreg:$0x4] =	wrdreg $0x9  }
0xb1: {  	_ =	task.clear_ibuf [dreg:s6], $0x5FFFF;
	_ =	strace $0x90000049  }
0xb2: {  	s29 =	simm.s32 $0x9;
	_ =	strace $0x8000004B  }
0xb3: {  	_ =	swait.ge [sflag:s29], $0x1  }
0xb4: {  	[sflag:s29] =	ssyncadd.s32 $0xFFFFFFFF  }
0xb5: {  	_ =	strace $0x9000004B  }
0xb6: {  	_ =	sfence  }
0xb7: {  	s30 =	sld [smem:$0x0];
	_ =	sdelay $0x2  }
0xb8: {  	s31 =	sshll.u32 s1, $0xD;
	s1 =	sshrl.u32 s1, $0x2  }
0xb9: {  	s3 =	sand.u32 $0x4000, s31;
	s1 =	sadd.s32 s1, s30  }
0xba: {  	s0 =	sor.u32 s3, s0;
	s1 =	sshll.u32 s1, $0x11  }
0xbb: {  	s0 =	sor.u32 s1, s0  }
0xbc: {  	s0 =	sadd.s32 $0x8F2B, s0  }
0xbd: {  	[sflag:s0] =	ssyncadd.remote.s32 $0x1  }
0xbe: {  	_ =	sfence.sel $0xFFFF  }
0xbf: {  	[dreg:$0x0] =	wrdreg $0xFFFFFFFF;
	(pc) =	sbr.abs _section_cstart, $3  }
0xc0: {  	[dreg:$0x1] =	wrdreg $0xFFFFFFFF  }
0xc1: {  	_ =	task.clear_ibuf [dreg:s6], $0x2FFFF;
	_ =	strace $0x9FFFFFFF  }
0xc2: {  	(tm) =	ssettm $0x7FFFFFFF  }
0xc3: {  	_ =	shalt  }
tec
execute0_lowered:
.L_overlay_start_1:
0x0: {  	(tag) =	ssettag $0x1  }
0x1: {  	s0 =	srdreg.scid;
	s5 =	rddreg [dreg:$0x0]  }
0x2: {  	s11 =	stileid.u32;
	s2 =	rddreg [dreg:$0x1];
	s3 =	simm.s32 $0x0  }
0x3: {  	s12 =	simm.s32 $0x9;
	s14 =	simm.s32 $0x80;
	s15 =	simm.s32 $0x5000  }
0x4: {  	s16 =	simm.s32 $0x5800;
	s18 =	simm.s32 $0x6000;
	s20 =	simm.s32 $0x6800  }
0x5: {  	s21 =	simm.s32 $0x1;
	s22 =	simm.s32 $0x2;
	s23 =	simm.s32 $0x3  }
0x6: {  	s24 =	simm.s32 $0x4;
	s25 =	simm.s32 $0x5;
	s28 =	simm.s32 $0x7  }
0x7: {  	s29 =	simm.s32 $0x8;
	s31 =	simm.s32 $0x4E80;
	s13 =	simm.s32 $0x0  }
0x8: {  	s0 =	sand.u32 $0x1, s0;
	s6 =	smul.u32 $0x2800, s11;
	[smem:$0x7FF] =	sst s3  }
0x9: {  	s4 =	sadd.s32 $0x1B400, s5;
	s26 =	sshll.u32 s11, $0x6;
	s1 =	sshll.u32 s0, $0x4  }
0xa: {  	s7 =	smul.u32 $0x28000, s0;
	_ =	strace $0x8000004A;
	s0 =	ssub.s32 $0x2, s0  }
0xb: {  	s1 =	sor.u32 s11, s1;
	s8 =	sshrl.u32 s6, $0x3;
	s9 =	sshrl.u32 s0, $0x1  }
0xc: {  	s30 =	sadd.s32 s6, s2;
	s1 =	smul.u32 $0x500, s1;
	s7 =	sadd.s32 s6, s7  }
0xd: {  	s8 =	sadd.s32 s8, s5;
	s0 =	ssub.s32 s0, s9;
	s6 =	sor.u32 $0x1C09, s26  }
0xe: {  	s11 =	sshrl.u32 s30, $0x3;
	s26 =	simm.s32 $0x6;
	s7 =	sshrl.u32 s7, $0x3  }
0xf: {  	s1 =	sadd.s32 s1, s5;
	s10 =	sadd.s32 s7, s5;
	s5 =	sadd.s32 $0x16400, s8  }
0x10: {  	s7 =	sadd.s32 $0xC400, s1;
	s8 =	sadd.s32 $0x2400, s1;
	s9 =	sadd.s32 $0x20400, s10  }
0x11: {  	s10 =	smax.u32 s0, $0x1;
	s1 =	simm.s32 $0x4F00;
	s0 =	simm.s32 $0x4F80  }
.LBB2_1:
0x12: {  	[spmem:s11], [sflag:s6] =	dma.local [hbm:s5], $0x500  }
0x13: {  	_ =	swait.ge [sflag:s12], $0x500  }
0x14: {  	[sflag:s12] =	ssyncset.done $0x0  }
0x15: {  	[sflag:s12] =	ssyncadd.s32 $0xFFFFFB00  }
0x16: {  	[tilespmem:s3], [sflag:$0x9] =	stream.linear.gather [hbm4b:s7+s3], $0x2800, $0x38;
	[tilespmem:$0x9800] =	vst v63  }
0x17: {  	_ =	swait.ge [sflag:s12], $0x2800  }
0x18: {  	[sflag:s12] =	ssyncset.done $0x0  }
0x19: {  	s17 =	simm.s32 $0x2800;
	[sflag:s12] =	ssyncadd.s32 $0xFFFFD800  }
0x1a: {  	[tilespmem:s17], [sflag:$0x9] =	stream.linear.gather [hbm4b:s8+s3], $0x2800, $0x38;
	[tilespmem:$0x9800] =	vst v63  }
0x1b: {  	_ =	swait.ge [sflag:s12], $0x2800  }
0x1c: {  	[sflag:s12] =	ssyncset.done $0x0  }
0x1d: {  	[sflag:s12] =	ssyncadd.s32 $0xFFFFD800  }
0x1e: {  	[bflag:$0x0] =	sbarrier.arrive $0xFFFF  }
0x1f: {  	[tilespmem:s15], [sflag:$0x1] =	stream.indirect.gather [hbm4b:s4+s14], $0x10, s3, s14, $0xb8;
	[tilespmem:$0x9800] =	vst v63  }
0x20: {  	_ = 	snop  }
0x21: {  	[tilespmem:s16], [sflag:$0x2] =	stream.indirect.gather [hbm4b:s4+s14], $0x10, s14, s14, $0xb8;
	[tilespmem:$0x9800] =	vst v63  }
0x22: {  	s30 =	simm.s32 $0x100  }
0x23: {  	[tilespmem:s18], [sflag:$0x3] =	stream.indirect.gather [hbm4b:s4+s14], $0x10, s30, s14, $0xb8;
	[tilespmem:$0x9800] =	vst v63  }
0x24: {  	s19 =	simm.s32 $0x180  }
0x25: {  	[tilespmem:s20], [sflag:$0x4] =	stream.indirect.gather [hbm4b:s4+s14], $0x10, s19, s14, $0xb8;
	[tilespmem:$0x9800] =	vst v63  }
0x26: {  	_ =	swait.ge [sflag:s21], $0x800  }
0x27: {  	[sflag:s21] =	ssyncset.done $0x0  }
0x28: {  	s30 =	simm.s32 $0x2800;
	[sflag:s21] =	ssyncadd.s32 $0xFFFFF800  }
0x29: {  	[spmem:s2] =	stream.indirect.scatter.add.f32 [tilespmem:s15], [sflag:$0x5], $0x10, s30, s14, $0xb8;
	[tilespmem:$0x9800] =	vst v63  }
0x2a: {  	_ =	swait.ge [sflag:s22], $0x800  }
0x2b: {  	[sflag:s22] =	ssyncset.done $0x0  }
0x2c: {  	s19 =	simm.s32 $0x2880;
	[sflag:s22] =	ssyncadd.s32 $0xFFFFF800  }
0x2d: {  	[spmem:s2] =	stream.indirect.scatter.add.f32 [tilespmem:s16], [sflag:$0x6], $0x10, s19, s14, $0xb8;
	[tilespmem:$0x9800] =	vst v63  }
0x2e: {  	_ =	swait.ge [sflag:s23], $0x800  }
0x2f: {  	[sflag:s23] =	ssyncset.done $0x0  }
0x30: {  	s30 =	simm.s32 $0x2900;
	[sflag:s23] =	ssyncadd.s32 $0xFFFFF800  }
0x31: {  	[spmem:s2] =	stream.indirect.scatter.add.f32 [tilespmem:s18], [sflag:$0x7], $0x10, s30, s14, $0xb8;
	[tilespmem:$0x9800] =	vst v63  }
0x32: {  	_ =	swait.ge [sflag:s24], $0x800  }
0x33: {  	[sflag:s24] =	ssyncset.done $0x0  }
0x34: {  	s19 =	simm.s32 $0x2980;
	[sflag:s24] =	ssyncadd.s32 $0xFFFFF800  }
0x35: {  	[spmem:s2] =	stream.indirect.scatter.add.f32 [tilespmem:s20], [sflag:$0x8], $0x10, s19, s14, $0xb8;
	[tilespmem:$0x9800] =	vst v63  }
0x36: {  	_ =	swait.ge [sflag:s25], $0x800  }
0x37: {  	[sflag:s25] =	ssyncset.done $0x0  }
0x38: {  	s30 =	simm.s32 $0x200;
	[sflag:s25] =	ssyncadd.s32 $0xFFFFF800  }
0x39: {  	[tilespmem:s15], [sflag:$0x1] =	stream.indirect.gather [hbm4b:s4+s14], $0x10, s30, s14, $0xb8;
	[tilespmem:$0x9800] =	vst v63  }
0x3a: {  	_ =	swait.ge [sflag:s26], $0x800  }
0x3b: {  	[sflag:s26] =	ssyncset.done $0x0  }
0x3c: {  	s19 =	simm.s32 $0x280;
	[sflag:s26] =	ssyncadd.s32 $0xFFFFF800  }
0x3d: {  	[tilespmem:s16], [sflag:$0x2] =	stream.indirect.gather [hbm4b:s4+s14], $0x10, s19, s14, $0xb8;
	[tilespmem:$0x9800] =	vst v63  }
0x3e: {  	_ =	swait.ge [sflag:s28], $0x800  }
0x3f: {  	[sflag:s28] =	ssyncset.done $0x0  }
0x40: {  	s30 =	simm.s32 $0x300;
	[sflag:s28] =	ssyncadd.s32 $0xFFFFF800  }
0x41: {  	[tilespmem:s18], [sflag:$0x3] =	stream.indirect.gather [hbm4b:s4+s14], $0x10, s30, s14, $0xb8;
	[tilespmem:$0x9800] =	vst v63  }
0x42: {  	_ =	swait.ge [sflag:s29], $0x800  }
0x43: {  	[sflag:s29] =	ssyncset.done $0x0  }
0x44: {  	s17 =	simm.s32 $0x800;
	s19 =	simm.s32 $0x380;
	[sflag:s29] =	ssyncadd.s32 $0xFFFFF800  }
.LBB2_2:
0x45: {  	[tilespmem:s20], [sflag:$0x4] =	stream.indirect.gather [hbm4b:s4+s14], $0x10, s19, s14, $0xb8;
	[tilespmem:$0x9800] =	vst v63  }
0x46: {  	s19 =	smov.u32 s17  }
0x47: {  	p0 =	sne.s32 s17, $0x9000;
	s17 =	sadd.s32 $0x800, s17;
	_ =	swait.ge [sflag:s21], $0x800  }
0x48: {  	s19 =	sshra.s32 s19, $0x2;
	[sflag:s21] =	ssyncset.done $0x0  }
0x49: {  	s30 =	sadd.s32 $0x2800, s19;
	[sflag:s21] =	ssyncadd.s32 $0xFFFFF800  }
0x4a: {  	[spmem:s2] =	stream.indirect.scatter.add.f32 [tilespmem:s15], [sflag:$0x5], $0x10, s30, s14, $0xb8;
	[tilespmem:$0x9800] =	vst v63  }
0x4b: {  	_ =	swait.ge [sflag:s22], $0x800  }
0x4c: {  	[sflag:s22] =	ssyncset.done $0x0  }
0x4d: {  	s30 =	sadd.s32 $0x2880, s19;
	[sflag:s22] =	ssyncadd.s32 $0xFFFFF800  }
0x4e: {  	[spmem:s2] =	stream.indirect.scatter.add.f32 [tilespmem:s16], [sflag:$0x6], $0x10, s30, s14, $0xb8;
	[tilespmem:$0x9800] =	vst v63  }
0x4f: {  	_ =	swait.ge [sflag:s23], $0x800  }
0x50: {  	[sflag:s23] =	ssyncset.done $0x0  }
0x51: {  	s30 =	sadd.s32 $0x2900, s19;
	[sflag:s23] =	ssyncadd.s32 $0xFFFFF800  }
0x52: {  	[spmem:s2] =	stream.indirect.scatter.add.f32 [tilespmem:s18], [sflag:$0x7], $0x10, s30, s14, $0xb8;
	[tilespmem:$0x9800] =	vst v63  }
0x53: {  	_ =	swait.ge [sflag:s24], $0x800  }
0x54: {  	[sflag:s24] =	ssyncset.done $0x0  }
0x55: {  	s30 =	sadd.s32 $0x2980, s19;
	[sflag:s24] =	ssyncadd.s32 $0xFFFFF800  }
0x56: {  	[spmem:s2] =	stream.indirect.scatter.add.f32 [tilespmem:s20], [sflag:$0x8], $0x10, s30, s14, $0xb8;
	[tilespmem:$0x9800] =	vst v63  }
0x57: {  	_ =	swait.ge [sflag:s25], $0x800  }
0x58: {  	[sflag:s25] =	ssyncset.done $0x0  }
0x59: {  	s30 =	sadd.s32 $0x200, s19;
	[sflag:s25] =	ssyncadd.s32 $0xFFFFF800  }
0x5a: {  	[tilespmem:s15], [sflag:$0x1] =	stream.indirect.gather [hbm4b:s4+s14], $0x10, s30, s14, $0xb8;
	[tilespmem:$0x9800] =	vst v63  }
0x5b: {  	_ =	swait.ge [sflag:s26], $0x800  }
0x5c: {  	[sflag:s26] =	ssyncset.done $0x0  }
0x5d: {  	s30 =	sadd.s32 $0x280, s19;
	[sflag:s26] =	ssyncadd.s32 $0xFFFFF800  }
0x5e: {  	[tilespmem:s16], [sflag:$0x2] =	stream.indirect.gather [hbm4b:s4+s14], $0x10, s30, s14, $0xb8;
	[tilespmem:$0x9800] =	vst v63  }
0x5f: {  	_ =	swait.ge [sflag:s28], $0x800  }
0x60: {  	[sflag:s28] =	ssyncset.done $0x0  }
.Ltmp0:
0x61: {  	s30 =	sadd.s32 $0x300, s19;
	[sflag:s28] =	ssyncadd.s32 $0xFFFFF800;
	(pc) =	sbr.rel @p0 .LBB2_2-.Ltmp0, $4  }
0x62: {  	[tilespmem:s18], [sflag:$0x3] =	stream.indirect.gather [hbm4b:s4+s14], $0x10, s30, s14, $0xb8;
	[tilespmem:$0x9800] =	vst v63  }
0x63: {  	_ =	swait.ge [sflag:s29], $0x800  }
0x64: {  	[sflag:s29] =	ssyncset.done $0x0  }
0x65: {  	s19 =	sadd.s32 $0x380, s19;
	[sflag:s29] =	ssyncadd.s32 $0xFFFFF800  }
0x66: {  	[tilespmem:s20], [sflag:$0x4] =	stream.indirect.gather [hbm4b:s4+s14], $0x10, s19, s14, $0xb8;
	[tilespmem:$0x9800] =	vst v63  }
0x67: {  	_ =	swait.ge [sflag:s21], $0x800  }
0x68: {  	[sflag:s21] =	ssyncset.done $0x0  }
0x69: {  	s17 =	simm.s32 $0x4E00;
	[sflag:s21] =	ssyncadd.s32 $0xFFFFF800  }
0x6a: {  	[spmem:s2] =	stream.indirect.scatter.add.f32 [tilespmem:s15], [sflag:$0x5], $0x10, s17, s14, $0xb8;
	[tilespmem:$0x9800] =	vst v63  }
0x6b: {  	_ =	swait.ge [sflag:s22], $0x800  }
0x6c: {  	[sflag:s22] =	ssyncset.done $0x0  }
0x6d: {  	[sflag:s22] =	ssyncadd.s32 $0xFFFFF800  }
0x6e: {  	[spmem:s2] =	stream.indirect.scatter.add.f32 [tilespmem:s16], [sflag:$0x6], $0x10, s31, s14, $0xb8;
	[tilespmem:$0x9800] =	vst v63  }
0x6f: {  	_ =	swait.ge [sflag:s23], $0x800  }
0x70: {  	[sflag:s23] =	ssyncset.done $0x0  }
0x71: {  	[sflag:s23] =	ssyncadd.s32 $0xFFFFF800  }
0x72: {  	[spmem:s2] =	stream.indirect.scatter.add.f32 [tilespmem:s18], [sflag:$0x7], $0x10, s1, s14, $0xb8;
	[tilespmem:$0x9800] =	vst v63  }
0x73: {  	_ =	swait.ge [sflag:s24], $0x800  }
0x74: {  	[sflag:s24] =	ssyncset.done $0x0  }
0x75: {  	[sflag:s24] =	ssyncadd.s32 $0xFFFFF800  }
0x76: {  	[spmem:s2] =	stream.indirect.scatter.add.f32 [tilespmem:s20], [sflag:$0x8], $0x10, s0, s14, $0xb8;
	[tilespmem:$0x9800] =	vst v63  }
0x77: {  	_ =	swait.ge [sflag:s25], $0x800  }
0x78: {  	[sflag:s25] =	ssyncset.done $0x0  }
0x79: {  	[sflag:s25] =	ssyncadd.s32 $0xFFFFF800  }
0x7a: {  	_ =	swait.ge [sflag:s26], $0x800  }
0x7b: {  	[sflag:s26] =	ssyncset.done $0x0  }
0x7c: {  	[sflag:s26] =	ssyncadd.s32 $0xFFFFF800  }
0x7d: {  	_ =	swait.ge [sflag:s28], $0x800  }
0x7e: {  	[sflag:s28] =	ssyncset.done $0x0  }
0x7f: {  	[sflag:s28] =	ssyncadd.s32 $0xFFFFF800  }
0x80: {  	_ =	swait.ge [sflag:s29], $0x800  }
0x81: {  	s13 =	sadd.s32 $0x1, s13;
	[sflag:s29] =	ssyncset.done $0x0  }
0x82: {  	p0 =	sne.s32 s13, s10;
	[sflag:s29] =	ssyncadd.s32 $0xFFFFF800  }
.Ltmp1:
0x83: {  	[bflag:$0x0] =	sbarrier.arrive $0xFFFF;
	(pc) =	sbr.rel @p0 .LBB2_1-.Ltmp1, $4  }
0x84: {  	[hbm:s9], [sflag:s6] =	dma.local [spmem:s11], $0x500  }
0x85: {  	_ =	swait.ge [sflag:s12], $0x500  }
0x86: {  	[sflag:s12] =	ssyncset.done $0x0  }
0x87: {  	[sflag:s12] =	ssyncadd.s32 $0xFFFFFB00  }
0x88: {  	_ =	sfence.sel $0x180000  }
0x89: {  	[bflag:$0x0] =	sbarrier.arrive $0xFFFF  }
0x8a: {  	_ =	strace $0x9000004A  }
0x8b: {  	s0 =	stileid.u32;
	[bflag:$0x2] =	sbarrier.arrive $0xFFFF  }
0x8c: {  	p0 =	sne.s32 s0, $0x0;
	s0 =	rddreg [dreg:$0x2]  }
0x8d: {  	s0 =	sadd.s32 @!p0 $0x100000, s0  }
0x8e: {  	[sflag:s0] =	ssyncadd.tile.s32 @!p0 $0x1;
	_ =	shalt  }
.Lfunc_end2:
_tile_overlayer_lowered:
.L_overlay_start_2:
0x8f: {  	(tag) =	ssettag $0x2  }
0x90: {  	s0 =	rddreg [dreg:$0x0];
	s2 =	stileid.u32  }
0x91: {  	s1 =	rddreg [dreg:$0x1];
	p0 =	sne.s32 s2, $0x0  }
0x92: {  	s3 =	rddreg [dreg:$0x2];
	[bflag:$0x3] =	sbarrier.arrive $0xFFFF;
	s2 =	simm.s32 @!p0 $0x1C09  }
0x93: {  	[timem:s3], [sflag:s2] =	dma.local @!p0 [hbm:s0], s1  }
0x94: {  	s0 =	simm.s32 @!p0 $0x9  }
0x95: {  	_ =	swait.ge @!p0 [sflag:s0], s1  }
0x96: {  	s1 =	ssub.s32 @!p0 $0x0, s1;
	[sflag:s0] =	ssyncset.done @!p0 $0x0  }
0x97: {  	[sflag:s0] =	ssyncadd.s32 @!p0 s1  }
0x98: {  	[bflag:$0x3] =	sbarrier.arrive $0xFFFF  }
0x99: {  	_ =	shalt  }

</sc_bundles>
